<compile_context>
chip_gen: v7x
topology: tpu7x:2x2x1
jax: 0.10.2.dev20260603
libtpu: 0.0.44.dev20260713+nightly
codegen_flags: <defaults>
</compile_context>

<pallas_src>
import functools

import jax
import jax.numpy as jnp
from jax import lax
from jax.experimental import pallas as pl
from jax.experimental.pallas import tpu as pltpu
from jax.experimental.pallas import tpu_sc as plsc

N = 10000
E = 320000
D_IN = 128
D_OUT = 32
D2 = 2 * D_OUT

NC = 2
NS = 16
NW = NC * NS
B = 128
NB = 80
EPW = NB * B
E_PAD = NW * EPW
NA = N + 8

ROWS_MAIN = 632
ROWS_LAST = N - (NS - 1) * ROWS_MAIN
STG = 320
CHUNKS_MAIN = (320, 312)
CHUNKS_LAST = (320, 200)

R = 2000
G = N // R

_mesh = plsc.VectorSubcoreMesh(core_axis_name="c", subcore_axis_name="s")
_sc_params = pltpu.CompilerParams(use_tc_tiling_on_sc=False)


def _node_slice_copy(copy_fn, sid):
    @pl.when(sid != NS - 1)
    def _():
        copy_fn(sid * ROWS_MAIN, ROWS_MAIN)

    @pl.when(sid == NS - 1)
    def _():
        copy_fn((NS - 1) * ROWS_MAIN, ROWS_LAST)


@functools.partial(
    pl.kernel,
    out_type=jax.ShapeDtypeStruct((NC * N,), jnp.float32),
    mesh=_mesh,
    scratch_types=[
        pltpu.VMEM((NB, B), jnp.int32),
        pltpu.VMEM((B,), jnp.float32),
        pltpu.VMEM((ROWS_MAIN,), jnp.float32),
        pltpu.VMEM_SHARED((NA,), jnp.float32),
        pltpu.SemaphoreType.DMA,
    ],
    compiler_params=_sc_params,
)
def _deg_kernel(dst_hbm, zeros_hbm, out_hbm, dst_v, ones_v, stage_v,
                acc_sh, sem):
    cid = lax.axis_index("c")
    sid = lax.axis_index("s")
    wid = sid * NC + cid

    pltpu.sync_copy(zeros_hbm, stage_v)
    _node_slice_copy(
        lambda s, n: pltpu.sync_copy(stage_v.at[pl.ds(0, n)],
                                     acc_sh.at[pl.ds(s, n)]), sid)

    @pl.when(sid == 0)
    def _():
        pltpu.sync_copy(zeros_hbm.at[pl.ds(0, 8)], acc_sh.at[pl.ds(N, 8)])

    pltpu.sync_copy(dst_hbm.at[pl.ds(wid * NB, NB)], dst_v)
    for i in range(B // 16):
        ones_v[pl.ds(i * 16, 16)] = jnp.ones((16,), jnp.float32)
    plsc.subcore_barrier()

    K = 8

    def body(g, carry):
        for j in range(K):
            pltpu.async_copy(ones_v, acc_sh.at[dst_v.at[g * K + j]], sem,
                             add=True)
        for j in range(K):
            pltpu.make_async_copy(ones_v, acc_sh.at[dst_v.at[g * K + j]],
                                  sem).wait()
        return carry

    lax.fori_loop(0, NB // K, body, 0)
    plsc.subcore_barrier()

    def _writeout(s, n):
        pltpu.sync_copy(acc_sh.at[pl.ds(s, n)], stage_v.at[pl.ds(0, n)])
        pltpu.sync_copy(stage_v.at[pl.ds(0, n)],
                        out_hbm.at[pl.ds(cid * N + s, n)])

    _node_slice_copy(_writeout, sid)


@functools.partial(
    pl.kernel,
    out_type=jax.ShapeDtypeStruct((NC * N, D2), jnp.float32),
    mesh=_mesh,
    scratch_types=[
        pltpu.VMEM((NB, B), jnp.int32),
        pltpu.VMEM((NB, B), jnp.int32),
        pltpu.VMEM((B, D2), jnp.float32),
        pltpu.VMEM((B, D2), jnp.float32),
        pltpu.VMEM((B, D2), jnp.float32),
        pltpu.VMEM((B, D2), jnp.float32),
        pltpu.VMEM((STG, D2), jnp.float32),
        pltpu.VMEM_SHARED((NA, D2), jnp.float32),
        pltpu.SemaphoreType.DMA,
        pltpu.SemaphoreType.DMA,
        pltpu.SemaphoreType.DMA,
        pltpu.SemaphoreType.DMA,
        pltpu.SemaphoreType.DMA,
        pltpu.SemaphoreType.DMA,
        pltpu.SemaphoreType.DMA,
        pltpu.SemaphoreType.DMA,
    ],
    compiler_params=_sc_params,
)
def _prop_kernel(src_hbm, dst_hbm, feat_hbm, zeros_hbm, out_hbm,
                 src_v, dst_v, rows0_v, rows1_v, rows2_v, rows3_v,
                 stage_v, acc_sh,
                 gsem0, gsem1, gsem2, gsem3, ssem0, ssem1, ssem2, ssem3):
    cid = lax.axis_index("c")
    sid = lax.axis_index("s")
    wid = sid * NC + cid

    def _sub_chunks(copy_fn, sid):
        @pl.when(sid != NS - 1)
        def _():
            off = 0
            for n in CHUNKS_MAIN:
                copy_fn(sid * ROWS_MAIN + off, n)
                off += n

        @pl.when(sid == NS - 1)
        def _():
            off = 0
            for n in CHUNKS_LAST:
                copy_fn((NS - 1) * ROWS_MAIN + off, n)
                off += n

    pltpu.sync_copy(zeros_hbm, stage_v)
    _sub_chunks(
        lambda s, n: pltpu.sync_copy(stage_v.at[pl.ds(0, n)],
                                     acc_sh.at[pl.ds(s, n)]), sid)

    @pl.when(sid == 0)
    def _():
        pltpu.sync_copy(zeros_hbm.at[pl.ds(0, 8)], acc_sh.at[pl.ds(N, 8)])

    pltpu.sync_copy(src_hbm.at[pl.ds(wid * NB, NB)], src_v)
    pltpu.sync_copy(dst_hbm.at[pl.ds(wid * NB, NB)], dst_v)
    plsc.subcore_barrier()

    bufs = (rows0_v, rows1_v, rows2_v, rows3_v)
    gsems = (gsem0, gsem1, gsem2, gsem3)
    ssems = (ssem0, ssem1, ssem2, ssem3)
    for p in range(3):
        pltpu.async_copy(feat_hbm.at[src_v.at[p]], bufs[p], gsems[p])

    def body(k, carry):
        for p in range(4):
            i = 4 * k + p
            pltpu.make_async_copy(feat_hbm.at[src_v.at[i]], bufs[p],
                                  gsems[p]).wait()
            pltpu.async_copy(bufs[p], acc_sh.at[dst_v.at[i]], ssems[p],
                             add=True)
            pprev = (p + 3) % 4

            @pl.when(i + 3 < NB)
            def _(i=i, pprev=pprev):
                @pl.when(i >= 1)
                def _():
                    pltpu.make_async_copy(
                        bufs[pprev], acc_sh.at[dst_v.at[i - 1]],
                        ssems[pprev]).wait()
                pltpu.async_copy(feat_hbm.at[src_v.at[i + 3]], bufs[pprev],
                                 gsems[pprev])
        return carry

    lax.fori_loop(0, NB // 4, body, 0)
    for p in range(4):
        pltpu.make_async_copy(bufs[p], acc_sh.at[dst_v.at[NB - 4 + p]],
                              ssems[p]).wait()
    plsc.subcore_barrier()

    def _writeout(s, n):
        pltpu.sync_copy(acc_sh.at[pl.ds(s, n)], stage_v.at[pl.ds(0, n)])
        pltpu.sync_copy(stage_v.at[pl.ds(0, n)],
                        out_hbm.at[pl.ds(cid * N + s, n)])

    _sub_chunks(_writeout, sid)


def _feat_body(x_ref, w_ref, b_ref, o_ref):
    y = jnp.dot(x_ref[...], w_ref[...],
                preferred_element_type=jnp.float32) + b_ref[...]
    xa = y[:, :D_OUT]
    h = y[:, D_OUT:]
    nrm = jnp.sqrt(jnp.sum(h * h, axis=1, keepdims=True))
    h = h * (1.8 / jnp.maximum(nrm, 1e-12))
    o_ref[...] = jnp.concatenate([xa, h], axis=1)


_feat_call = pl.pallas_call(
    _feat_body,
    grid=(G,),
    in_specs=[
        pl.BlockSpec((R, D_IN), lambda i: (i, 0)),
        pl.BlockSpec((D_IN, D2), lambda i: (0, 0)),
        pl.BlockSpec((1, D2), lambda i: (0, 0)),
    ],
    out_specs=pl.BlockSpec((R, D2), lambda i: (i, 0)),
    out_shape=jax.ShapeDtypeStruct((N, D2), jnp.float32),
)


def _scale_body(degT_ref, feat_ref, dsq_ref, fs_ref):
    d = degT_ref[:, 0:1] + degT_ref[:, 1:2] + 1.0
    dsq = lax.rsqrt(d)
    dsq_ref[...] = dsq
    fs_ref[...] = feat_ref[...] * dsq


_scale_call = pl.pallas_call(
    _scale_body,
    grid=(G,),
    in_specs=[
        pl.BlockSpec((R, 2), lambda i: (i, 0)),
        pl.BlockSpec((R, D2), lambda i: (i, 0)),
    ],
    out_specs=[
        pl.BlockSpec((R, 1), lambda i: (i, 0)),
        pl.BlockSpec((R, D2), lambda i: (i, 0)),
    ],
    out_shape=[
        jax.ShapeDtypeStruct((N, 1), jnp.float32),
        jax.ShapeDtypeStruct((N, D2), jnp.float32),
    ],
)


def _combine_body(a0_ref, a1_ref, fs_ref, dsq_ref, ox_ref, oh_ref):
    t = (a0_ref[...] + a1_ref[...] + fs_ref[...]) * dsq_ref[...]
    ox_ref[...] = t[:, :D_OUT]
    oh_ref[...] = t[:, D_OUT:]


_combine_call = pl.pallas_call(
    _combine_body,
    grid=(G,),
    in_specs=[
        pl.BlockSpec((R, D2), lambda i: (i, 0)),
        pl.BlockSpec((R, D2), lambda i: (i, 0)),
        pl.BlockSpec((R, D2), lambda i: (i, 0)),
        pl.BlockSpec((R, 1), lambda i: (i, 0)),
    ],
    out_specs=[
        pl.BlockSpec((R, D_OUT), lambda i: (i, 0)),
        pl.BlockSpec((R, D_OUT), lambda i: (i, 0)),
    ],
    out_shape=[
        jax.ShapeDtypeStruct((N, D_OUT), jnp.float32),
        jax.ShapeDtypeStruct((N, D_OUT), jnp.float32),
    ],
)


def kernel(x, edge_index, W1, b1, W2, b2):
    src = edge_index[0]
    dst = edge_index[1]
    npad = E_PAD - E
    src_p = jnp.concatenate(
        [src, jnp.zeros((npad,), jnp.int32)]).reshape(NW * NB, B)
    dst_p = jnp.concatenate(
        [dst, jnp.full((npad,), N, jnp.int32)]).reshape(NW * NB, B)
    W = jnp.concatenate([W1, W2], axis=1)
    b = jnp.concatenate([b1, b2])[None, :]

    feat = _feat_call(x, W, b)
    deg = _deg_kernel(dst_p, jnp.zeros((ROWS_MAIN,), jnp.float32))
    deg = deg.reshape(NC, N)
    dsq, fs = _scale_call(deg.T, feat)
    acc = _prop_kernel(src_p, dst_p, fs,
                       jnp.zeros((STG, D2), jnp.float32))
    acc = acc.reshape(NC, N, D2)
    ox, oh = _combine_call(acc[0], acc[1], fs, dsq)
    return (oh, ox)

# --- scband reference (transcript-rebuilt; emitter-appended) ---
"""Pipeline reference for scband-vgnaeencoder-32255204393510 (READ-ONLY COPY).

The authoritative reference and input builder live on the scoring server;
editing this copy changes nothing except your own understanding.
"""

import jax, jax.numpy as jnp
import numpy as np

N = 10000
E = 320000
D_IN = 128
D_OUT = 32


def _appnp_prop(x, src, dst, n):
    # APPNP with K=1, alpha=0 reduces to a single GCN-normalized propagation
    # gcn_norm with added self-loops: A_hat = D^{-1/2} (A + I) D^{-1/2}
    loop = jnp.arange(n, dtype=src.dtype)
    s = jnp.concatenate([src, loop])
    d = jnp.concatenate([dst, loop])
    ones = jnp.ones(s.shape[0], dtype=x.dtype)
    deg = jax.ops.segment_sum(ones, d, num_segments=n)
    deg_inv_sqrt = jnp.where(deg > 0, 1.0 / jnp.sqrt(deg), 0.0)
    norm = deg_inv_sqrt[s] * deg_inv_sqrt[d]
    msg = x[s] * norm[:, None]          # gather (SparseCore)
    out = jax.ops.segment_sum(msg, d, num_segments=n)  # scatter-add (SparseCore)
    # h = (1 - alpha) * out + alpha * x0 ; alpha = 0 -> out
    return out


def setup_inputs(seed: int = 0) -> dict:
    key = jax.random.key(seed)
    k1, k2, k3, k4 = jax.random.split(key, 4)
    x = jax.random.normal(k1, (N, D_IN), dtype=jnp.float32)
    edge_index = jax.random.randint(k2, (2, E), 0, N, dtype=jnp.int32)
    # Linear params (stored as [in, out] so forward is x @ W + b; same math as torch Linear)
    s1 = 1.0 / np.sqrt(D_IN)
    W1 = jax.random.uniform(k3, (D_IN, D_OUT), dtype=jnp.float32, minval=-s1, maxval=s1)
    b1 = jnp.zeros((D_OUT,), dtype=jnp.float32)
    W2 = jax.random.uniform(k4, (D_IN, D_OUT), dtype=jnp.float32, minval=-s1, maxval=s1)
    b2 = jnp.zeros((D_OUT,), dtype=jnp.float32)
    return {"x": x, "edge_index": edge_index, "W1": W1, "b1": b1, "W2": W2, "b2": b2}


def reference(x, edge_index, W1, b1, W2, b2):
    n = x.shape[0]
    src = edge_index[0]
    dst = edge_index[1]
    # x_ = propagate(linear1(x))
    x_ = x @ W1 + b1
    x_ = _appnp_prop(x_, src, dst, n)
    # x = propagate(F.normalize(linear2(x), p=2, dim=1) * 1.8)
    h = x @ W2 + b2
    nrm = jnp.sqrt(jnp.sum(h * h, axis=1, keepdims=True))
    h = h / jnp.maximum(nrm, 1e-12) * 1.8
    h = _appnp_prop(h, src, dst, n)
    return (h, x_)

if __name__ == "__main__":
    import jax
    _d = setup_inputs()
    print(jax.jit(kernel)(*tuple(_d.values())))

</pallas_src>

<mosaic_0001>
#map = affine_map<(d0, d1) -> (0, 0)>
#map1 = affine_map<(d0, d1) -> (0)>
module attributes {stable_mosaic.version = 14 : i64} {
  func.func @_deg_kernel(%arg0: i32, %arg1: i32, %arg2: memref<2560x128xi32, #tpu.memory_space<hbm>>, %arg3: memref<632xf32, #tpu.memory_space<hbm>>, %arg4: memref<20000xf32, #tpu.memory_space<hbm>>, %arg5: memref<80x128xi32, #tpu.memory_space<vmem>>, %arg6: memref<128xf32, #tpu.memory_space<vmem>>, %arg7: memref<632xf32, #tpu.memory_space<vmem>>, %arg8: memref<10008xf32, #tpu.memory_space<vmem_shared>>, %arg9: memref<!tpu.dma_semaphore, #tpu.memory_space<semaphore_mem>>) attributes {dimension_semantics = [#tpu.dimension_semantics<core_parallel>, #tpu.dimension_semantics<subcore_parallel>], iteration_bounds = array<i64: 2, 16>, scalar_prefetch = 0 : i64, scratch_operands = 5 : i64, tpu.core_type = #tpu.core_type<sc_vector_subcore>, window_params = [{transform_indices = #map}, {transform_indices = #map1}, {transform_indices = #map1}]} {
    %mul3A = arith.constant 2 : i32
    %mul3A_0 = arith.muli %arg1, %mul3A : i32
    %add3A = arith.addi %mul3A_0, %arg0 : i32
    "tpu.region"() ({
      %run_scoped3A = tpu.sem_alloc : memref<!tpu.dma_semaphore, #tpu.memory_space<semaphore_mem>>
      tpu.enqueue_dma source(%arg3 : memref<632xf32, #tpu.memory_space<hbm>>) target(%arg7 : memref<632xf32, #tpu.memory_space<vmem>>) target_semaphore(%run_scoped3A : memref<!tpu.dma_semaphore, #tpu.memory_space<semaphore_mem>>)
      tpu.wait_dma2 semaphore(%run_scoped3A : memref<!tpu.dma_semaphore, #tpu.memory_space<semaphore_mem>>) src(%arg3 : memref<632xf32, #tpu.memory_space<hbm>>) dst(%arg7 : memref<632xf32, #tpu.memory_space<vmem>>)
      tpu.yield
    }) : () -> ()
    %ne3A = arith.constant 15 : i32
    %ne3A_1 = arith.cmpi ne, %arg1, %ne3A : i32
    %convert_element_type3A = arith.extui %ne3A_1 : i1 to i32
    %cond3A = arith.constant 0 : i32
    %cond3A_2 = arith.cmpi ne, %convert_element_type3A, %cond3A : i32
    scf.if %cond3A_2 {
      %mul3A_76 = arith.constant 632 : i32
      %mul3A_77 = arith.muli %arg1, %mul3A_76 : i32
      "tpu.region"() ({
        %run_scoped3A = tpu.sem_alloc : memref<!tpu.dma_semaphore, #tpu.memory_space<semaphore_mem>>
        %dma_start3A = arith.constant 0 : i32
        %dma_start3A_78 = tpu.memref_slice %arg7[%dma_start3A] : memref<632xf32, #tpu.memory_space<vmem>> -> memref<632xf32, #tpu.memory_space<vmem>>
        %dma_start3A_79 = tpu.memref_slice %arg8[%mul3A_77] : memref<10008xf32, #tpu.memory_space<vmem_shared>> -> memref<632xf32, #tpu.memory_space<vmem_shared>>
        %dma_start3A_80 = tpu.memref_slice %arg8[%mul3A_77] : memref<10008xf32, #tpu.memory_space<vmem_shared>> -> memref<632xf32, #tpu.memory_space<vmem_shared>>
        %dma_start3A_81 = arith.constant 0 : i32
        %dma_start3A_82 = tpu.memref_slice %arg7[%dma_start3A_81] : memref<632xf32, #tpu.memory_space<vmem>> -> memref<632xf32, #tpu.memory_space<vmem>>
        tpu.enqueue_dma source(%dma_start3A_82 : memref<632xf32, #tpu.memory_space<vmem>>) target(%dma_start3A_80 : memref<632xf32, #tpu.memory_space<vmem_shared>>) target_semaphore(%run_scoped3A : memref<!tpu.dma_semaphore, #tpu.memory_space<semaphore_mem>>)
        %dma_wait3A = arith.constant 0 : i32
        %dma_wait3A_83 = tpu.memref_slice %arg7[%dma_wait3A] : memref<632xf32, #tpu.memory_space<vmem>> -> memref<632xf32, #tpu.memory_space<vmem>>
        %dma_wait3A_84 = tpu.memref_slice %arg8[%mul3A_77] : memref<10008xf32, #tpu.memory_space<vmem_shared>> -> memref<632xf32, #tpu.memory_space<vmem_shared>>
        %dma_wait3A_85 = tpu.memref_slice %arg8[%mul3A_77] : memref<10008xf32, #tpu.memory_space<vmem_shared>> -> memref<632xf32, #tpu.memory_space<vmem_shared>>
        %dma_wait3A_86 = arith.constant 0 : i32
        %dma_wait3A_87 = tpu.memref_slice %arg7[%dma_wait3A_86] : memref<632xf32, #tpu.memory_space<vmem>> -> memref<632xf32, #tpu.memory_space<vmem>>
        tpu.wait_dma2 semaphore(%run_scoped3A : memref<!tpu.dma_semaphore, #tpu.memory_space<semaphore_mem>>) src(%dma_wait3A_87 : memref<632xf32, #tpu.memory_space<vmem>>) dst(%dma_wait3A_85 : memref<632xf32, #tpu.memory_space<vmem_shared>>)
        tpu.yield
      }) : () -> ()
    } else {
    }
    %eq3A = arith.constant 15 : i32
    %eq3A_3 = arith.cmpi eq, %arg1, %eq3A : i32
    %convert_element_type3A_4 = arith.extui %eq3A_3 : i1 to i32
    %cond3A_5 = arith.constant 0 : i32
    %cond3A_6 = arith.cmpi ne, %convert_element_type3A_4, %cond3A_5 : i32
    scf.if %cond3A_6 {
      "tpu.region"() ({
        %run_scoped3A = tpu.sem_alloc : memref<!tpu.dma_semaphore, #tpu.memory_space<semaphore_mem>>
        %dma_start3A = arith.constant 0 : i32
        %dma_start3A_76 = tpu.memref_slice %arg7[%dma_start3A] : memref<632xf32, #tpu.memory_space<vmem>> -> memref<520xf32, #tpu.memory_space<vmem>>
        %dma_start3A_77 = arith.constant 9480 : i32
        %dma_start3A_78 = tpu.memref_slice %arg8[%dma_start3A_77] : memref<10008xf32, #tpu.memory_space<vmem_shared>> -> memref<520xf32, #tpu.memory_space<vmem_shared>>
        %dma_start3A_79 = arith.constant 9480 : i32
        %dma_start3A_80 = tpu.memref_slice %arg8[%dma_start3A_79] : memref<10008xf32, #tpu.memory_space<vmem_shared>> -> memref<520xf32, #tpu.memory_space<vmem_shared>>
        %dma_start3A_81 = arith.constant 0 : i32
        %dma_start3A_82 = tpu.memref_slice %arg7[%dma_start3A_81] : memref<632xf32, #tpu.memory_space<vmem>> -> memref<520xf32, #tpu.memory_space<vmem>>
        tpu.enqueue_dma source(%dma_start3A_82 : memref<520xf32, #tpu.memory_space<vmem>>) target(%dma_start3A_80 : memref<520xf32, #tpu.memory_space<vmem_shared>>) target_semaphore(%run_scoped3A : memref<!tpu.dma_semaphore, #tpu.memory_space<semaphore_mem>>)
        %dma_wait3A = arith.constant 0 : i32
        %dma_wait3A_83 = tpu.memref_slice %arg7[%dma_wait3A] : memref<632xf32, #tpu.memory_space<vmem>> -> memref<520xf32, #tpu.memory_space<vmem>>
        %dma_wait3A_84 = arith.constant 9480 : i32
        %dma_wait3A_85 = tpu.memref_slice %arg8[%dma_wait3A_84] : memref<10008xf32, #tpu.memory_space<vmem_shared>> -> memref<520xf32, #tpu.memory_space<vmem_shared>>
        %dma_wait3A_86 = arith.constant 9480 : i32
        %dma_wait3A_87 = tpu.memref_slice %arg8[%dma_wait3A_86] : memref<10008xf32, #tpu.memory_space<vmem_shared>> -> memref<520xf32, #tpu.memory_space<vmem_shared>>
        %dma_wait3A_88 = arith.constant 0 : i32
        %dma_wait3A_89 = tpu.memref_slice %arg7[%dma_wait3A_88] : memref<632xf32, #tpu.memory_space<vmem>> -> memref<520xf32, #tpu.memory_space<vmem>>
        tpu.wait_dma2 semaphore(%run_scoped3A : memref<!tpu.dma_semaphore, #tpu.memory_space<semaphore_mem>>) src(%dma_wait3A_89 : memref<520xf32, #tpu.memory_space<vmem>>) dst(%dma_wait3A_87 : memref<520xf32, #tpu.memory_space<vmem_shared>>)
        tpu.yield
      }) : () -> ()
    } else {
    }
    %eq3A_7 = arith.constant 0 : i32
    %eq3A_8 = arith.cmpi eq, %arg1, %eq3A_7 : i32
    %convert_element_type3A_9 = arith.extui %eq3A_8 : i1 to i32
    %cond3A_10 = arith.constant 0 : i32
    %cond3A_11 = arith.cmpi ne, %convert_element_type3A_9, %cond3A_10 : i32
    scf.if %cond3A_11 {
      "tpu.region"() ({
        %run_scoped3A = tpu.sem_alloc : memref<!tpu.dma_semaphore, #tpu.memory_space<semaphore_mem>>
        %dma_start3A = arith.constant 10000 : i32
        %dma_start3A_76 = tpu.memref_slice %arg8[%dma_start3A] : memref<10008xf32, #tpu.memory_space<vmem_shared>> -> memref<8xf32, #tpu.memory_space<vmem_shared>>
        %dma_start3A_77 = arith.constant 0 : i32
        %dma_start3A_78 = tpu.memref_slice %arg3[%dma_start3A_77] : memref<632xf32, #tpu.memory_space<hbm>> -> memref<8xf32, #tpu.memory_space<hbm>>
        tpu.enqueue_dma source(%dma_start3A_78 : memref<8xf32, #tpu.memory_space<hbm>>) target(%dma_start3A_76 : memref<8xf32, #tpu.memory_space<vmem_shared>>) target_semaphore(%run_scoped3A : memref<!tpu.dma_semaphore, #tpu.memory_space<semaphore_mem>>)
        %dma_wait3A = arith.constant 10000 : i32
        %dma_wait3A_79 = tpu.memref_slice %arg8[%dma_wait3A] : memref<10008xf32, #tpu.memory_space<vmem_shared>> -> memref<8xf32, #tpu.memory_space<vmem_shared>>
        %dma_wait3A_80 = arith.constant 0 : i32
        %dma_wait3A_81 = tpu.memref_slice %arg3[%dma_wait3A_80] : memref<632xf32, #tpu.memory_space<hbm>> -> memref<8xf32, #tpu.memory_space<hbm>>
        tpu.wait_dma2 semaphore(%run_scoped3A : memref<!tpu.dma_semaphore, #tpu.memory_space<semaphore_mem>>) src(%dma_wait3A_81 : memref<8xf32, #tpu.memory_space<hbm>>) dst(%dma_wait3A_79 : memref<8xf32, #tpu.memory_space<vmem_shared>>)
        tpu.yield
      }) : () -> ()
    } else {
    }
    %mul3A_12 = arith.constant 80 : i32
    %mul3A_13 = arith.muli %add3A, %mul3A_12 : i32
    "tpu.region"() ({
      %run_scoped3A = tpu.sem_alloc : memref<!tpu.dma_semaphore, #tpu.memory_space<semaphore_mem>>
      %dma_start3A = arith.constant 0 : i32
      %dma_start3A_76 = tpu.memref_slice %arg2[%mul3A_13, %dma_start3A] : memref<2560x128xi32, #tpu.memory_space<hbm>> -> memref<80x128xi32, #tpu.memory_space<hbm>>
      %dma_start3A_77 = arith.constant 0 : i32
      %dma_start3A_78 = tpu.memref_slice %arg2[%mul3A_13, %dma_start3A_77] : memref<2560x128xi32, #tpu.memory_space<hbm>> -> memref<80x128xi32, #tpu.memory_space<hbm>>
      tpu.enqueue_dma source(%dma_start3A_78 : memref<80x128xi32, #tpu.memory_space<hbm>>) target(%arg5 : memref<80x128xi32, #tpu.memory_space<vmem>>) target_semaphore(%run_scoped3A : memref<!tpu.dma_semaphore, #tpu.memory_space<semaphore_mem>>)
      %dma_wait3A = arith.constant 0 : i32
      %dma_wait3A_79 = tpu.memref_slice %arg2[%mul3A_13, %dma_wait3A] : memref<2560x128xi32, #tpu.memory_space<hbm>> -> memref<80x128xi32, #tpu.memory_space<hbm>>
      %dma_wait3A_80 = arith.constant 0 : i32
      %dma_wait3A_81 = tpu.memref_slice %arg2[%mul3A_13, %dma_wait3A_80] : memref<2560x128xi32, #tpu.memory_space<hbm>> -> memref<80x128xi32, #tpu.memory_space<hbm>>
      tpu.wait_dma2 semaphore(%run_scoped3A : memref<!tpu.dma_semaphore, #tpu.memory_space<semaphore_mem>>) src(%dma_wait3A_81 : memref<80x128xi32, #tpu.memory_space<hbm>>) dst(%arg5 : memref<80x128xi32, #tpu.memory_space<vmem>>)
      tpu.yield
    }) : () -> ()
    %broadcast_in_dim3A = arith.constant 1.000000e+00 : f32
    %broadcast_in_dim3A_14 = vector.broadcast %broadcast_in_dim3A : f32 to vector<16xf32>
    %swap3A = arith.constant 0 : index
    %swap3A_15 = tpu.vector_load %arg6[%swap3A] {strides = array<i32>} : memref<128xf32, #tpu.memory_space<vmem>>, vector<16xf32>,
    %swap3A_16 = vector.shape_cast %swap3A_15 : vector<16xf32> to vector<16xf32>
    %swap3A_17 = vector.shape_cast %broadcast_in_dim3A_14 : vector<16xf32> to vector<16xf32>
    tpu.vector_store %arg6[%swap3A], %swap3A_17 {strides = array<i32>} : memref<128xf32, #tpu.memory_space<vmem>>, vector<16xf32>,
    %broadcast_in_dim3A_18 = arith.constant 1.000000e+00 : f32
    %broadcast_in_dim3A_19 = vector.broadcast %broadcast_in_dim3A_18 : f32 to vector<16xf32>
    %swap3A_20 = arith.constant 16 : index
    %swap3A_21 = tpu.vector_load %arg6[%swap3A_20] {strides = array<i32>} : memref<128xf32, #tpu.memory_space<vmem>>, vector<16xf32>,
    %swap3A_22 = vector.shape_cast %swap3A_21 : vector<16xf32> to vector<16xf32>
    %swap3A_23 = vector.shape_cast %broadcast_in_dim3A_19 : vector<16xf32> to vector<16xf32>
    tpu.vector_store %arg6[%swap3A_20], %swap3A_23 {strides = array<i32>} : memref<128xf32, #tpu.memory_space<vmem>>, vector<16xf32>,
    %broadcast_in_dim3A_24 = arith.constant 1.000000e+00 : f32
    %broadcast_in_dim3A_25 = vector.broadcast %broadcast_in_dim3A_24 : f32 to vector<16xf32>
    %swap3A_26 = arith.constant 32 : index
    %swap3A_27 = tpu.vector_load %arg6[%swap3A_26] {strides = array<i32>} : memref<128xf32, #tpu.memory_space<vmem>>, vector<16xf32>,
    %swap3A_28 = vector.shape_cast %swap3A_27 : vector<16xf32> to vector<16xf32>
    %swap3A_29 = vector.shape_cast %broadcast_in_dim3A_25 : vector<16xf32> to vector<16xf32>
    tpu.vector_store %arg6[%swap3A_26], %swap3A_29 {strides = array<i32>} : memref<128xf32, #tpu.memory_space<vmem>>, vector<16xf32>,
    %broadcast_in_dim3A_30 = arith.constant 1.000000e+00 : f32
    %broadcast_in_dim3A_31 = vector.broadcast %broadcast_in_dim3A_30 : f32 to vector<16xf32>
    %swap3A_32 = arith.constant 48 : index
    %swap3A_33 = tpu.vector_load %arg6[%swap3A_32] {strides = array<i32>} : memref<128xf32, #tpu.memory_space<vmem>>, vector<16xf32>,
    %swap3A_34 = vector.shape_cast %swap3A_33 : vector<16xf32> to vector<16xf32>
    %swap3A_35 = vector.shape_cast %broadcast_in_dim3A_31 : vector<16xf32> to vector<16xf32>
    tpu.vector_store %arg6[%swap3A_32], %swap3A_35 {strides = array<i32>} : memref<128xf32, #tpu.memory_space<vmem>>, vector<16xf32>,
    %broadcast_in_dim3A_36 = arith.constant 1.000000e+00 : f32
    %broadcast_in_dim3A_37 = vector.broadcast %broadcast_in_dim3A_36 : f32 to vector<16xf32>
    %swap3A_38 = arith.constant 64 : index
    %swap3A_39 = tpu.vector_load %arg6[%swap3A_38] {strides = array<i32>} : memref<128xf32, #tpu.memory_space<vmem>>, vector<16xf32>,
    %swap3A_40 = vector.shape_cast %swap3A_39 : vector<16xf32> to vector<16xf32>
    %swap3A_41 = vector.shape_cast %broadcast_in_dim3A_37 : vector<16xf32> to vector<16xf32>
    tpu.vector_store %arg6[%swap3A_38], %swap3A_41 {strides = array<i32>} : memref<128xf32, #tpu.memory_space<vmem>>, vector<16xf32>,
    %broadcast_in_dim3A_42 = arith.constant 1.000000e+00 : f32
    %broadcast_in_dim3A_43 = vector.broadcast %broadcast_in_dim3A_42 : f32 to vector<16xf32>
    %swap3A_44 = arith.constant 80 : index
    %swap3A_45 = tpu.vector_load %arg6[%swap3A_44] {strides = array<i32>} : memref<128xf32, #tpu.memory_space<vmem>>, vector<16xf32>,
    %swap3A_46 = vector.shape_cast %swap3A_45 : vector<16xf32> to vector<16xf32>
    %swap3A_47 = vector.shape_cast %broadcast_in_dim3A_43 : vector<16xf32> to vector<16xf32>
    tpu.vector_store %arg6[%swap3A_44], %swap3A_47 {strides = array<i32>} : memref<128xf32, #tpu.memory_space<vmem>>, vector<16xf32>,
    %broadcast_in_dim3A_48 = arith.constant 1.000000e+00 : f32
    %broadcast_in_dim3A_49 = vector.broadcast %broadcast_in_dim3A_48 : f32 to vector<16xf32>
    %swap3A_50 = arith.constant 96 : index
    %swap3A_51 = tpu.vector_load %arg6[%swap3A_50] {strides = array<i32>} : memref<128xf32, #tpu.memory_space<vmem>>, vector<16xf32>,
    %swap3A_52 = vector.shape_cast %swap3A_51 : vector<16xf32> to vector<16xf32>
    %swap3A_53 = vector.shape_cast %broadcast_in_dim3A_49 : vector<16xf32> to vector<16xf32>
    tpu.vector_store %arg6[%swap3A_50], %swap3A_53 {strides = array<i32>} : memref<128xf32, #tpu.memory_space<vmem>>, vector<16xf32>,
    %broadcast_in_dim3A_54 = arith.constant 1.000000e+00 : f32
    %broadcast_in_dim3A_55 = vector.broadcast %broadcast_in_dim3A_54 : f32 to vector<16xf32>
    %swap3A_56 = arith.constant 112 : index
    %swap3A_57 = tpu.vector_load %arg6[%swap3A_56] {strides = array<i32>} : memref<128xf32, #tpu.memory_space<vmem>>, vector<16xf32>,
    %swap3A_58 = vector.shape_cast %swap3A_57 : vector<16xf32> to vector<16xf32>
    %swap3A_59 = vector.shape_cast %broadcast_in_dim3A_55 : vector<16xf32> to vector<16xf32>
    tpu.vector_store %arg6[%swap3A_56], %swap3A_59 {strides = array<i32>} : memref<128xf32, #tpu.memory_space<vmem>>, vector<16xf32>,
    %barrier3A = arith.constant 0 : index
    tpu.barrier barrier_id(%barrier3A)
    %scan3A = arith.constant 0 : i32
    %scan3A_60 = arith.constant 0 : i32
    %scan3A_61 = arith.constant 10 : i32
    %scan3A_62 = arith.addi %scan3A_60, %scan3A_61 : i32
    %scan3A_63 = arith.constant 1 : i32
    scf.for %scan3A_76 = %scan3A_60 to %scan3A_62 step %scan3A_63  : i32 {
      %mul3A_77 = arith.constant 8 : i32
      %mul3A_78 = arith.muli %scan3A_76, %mul3A_77 : i32
      %add3A_79 = arith.constant 0 : i32
      %add3A_80 = arith.addi %mul3A_78, %add3A_79 : i32
      %dma_start3A = arith.constant 0 : i32
      %dma_start3A_81 = tpu.memref_slice %arg5[%add3A_80, %dma_start3A] : memref<80x128xi32, #tpu.memory_space<vmem>> -> memref<1x128xi32, #tpu.memory_space<vmem>>
      %dma_start3A_82 = tpu.memref_squeeze %dma_start3A_81 : memref<1x128xi32, #tpu.memory_space<vmem>> -> memref<128xi32, #tpu.memory_space<vmem>>
      %dma_start3A_83 = arith.constant 0 : i32
      %dma_start3A_84 = tpu.memref_slice %arg8[%dma_start3A_83] : memref<10008xf32, #tpu.memory_space<vmem_shared>> -> memref<10008xf32, #tpu.memory_space<vmem_shared>>
      tpu.enqueue_indirect_dma source(%arg6 : memref<128xf32, #tpu.memory_space<vmem>>) target(%dma_start3A_84 : memref<10008xf32, #tpu.memory_space<vmem_shared>>) offsets(%dma_start3A_82 : memref<128xi32, #tpu.memory_space<vmem>>) semaphore(%arg9 : memref<!tpu.dma_semaphore, #tpu.memory_space<semaphore_mem>>) {add = true}
      %mul3A_85 = arith.constant 8 : i32
      %mul3A_86 = arith.muli %scan3A_76, %mul3A_85 : i32
      %add3A_87 = arith.constant 1 : i32
      %add3A_88 = arith.addi %mul3A_86, %add3A_87 : i32
      %dma_start3A_89 = arith.constant 0 : i32
      %dma_start3A_90 = tpu.memref_slice %arg5[%add3A_88, %dma_start3A_89] : memref<80x128xi32, #tpu.memory_space<vmem>> -> memref<1x128xi32, #tpu.memory_space<vmem>>
      %dma_start3A_91 = tpu.memref_squeeze %dma_start3A_90 : memref<1x128xi32, #tpu.memory_space<vmem>> -> memref<128xi32, #tpu.memory_space<vmem>>
      %dma_start3A_92 = arith.constant 0 : i32
      %dma_start3A_93 = tpu.memref_slice %arg8[%dma_start3A_92] : memref<10008xf32, #tpu.memory_space<vmem_shared>> -> memref<10008xf32, #tpu.memory_space<vmem_shared>>
      tpu.enqueue_indirect_dma source(%arg6 : memref<128xf32, #tpu.memory_space<vmem>>) target(%dma_start3A_93 : memref<10008xf32, #tpu.memory_space<vmem_shared>>) offsets(%dma_start3A_91 : memref<128xi32, #tpu.memory_space<vmem>>) semaphore(%arg9 : memref<!tpu.dma_semaphore, #tpu.memory_space<semaphore_mem>>) {add = true}
      %mul3A_94 = arith.constant 8 : i32
      %mul3A_95 = arith.muli %scan3A_76, %mul3A_94 : i32
      %add3A_96 = arith.constant 2 : i32
      %add3A_97 = arith.addi %mul3A_95, %add3A_96 : i32
      %dma_start3A_98 = arith.constant 0 : i32
      %dma_start3A_99 = tpu.memref_slice %arg5[%add3A_97, %dma_start3A_98] : memref<80x128xi32, #tpu.memory_space<vmem>> -> memref<1x128xi32, #tpu.memory_space<vmem>>
      %dma_start3A_100 = tpu.memref_squeeze %dma_start3A_99 : memref<1x128xi32, #tpu.memory_space<vmem>> -> memref<128xi32, #tpu.memory_space<vmem>>
      %dma_start3A_101 = arith.constant 0 : i32
      %dma_start3A_102 = tpu.memref_slice %arg8[%dma_start3A_101] : memref<10008xf32, #tpu.memory_space<vmem_shared>> -> memref<10008xf32, #tpu.memory_space<vmem_shared>>
      tpu.enqueue_indirect_dma source(%arg6 : memref<128xf32, #tpu.memory_space<vmem>>) target(%dma_start3A_102 : memref<10008xf32, #tpu.memory_space<vmem_shared>>) offsets(%dma_start3A_100 : memref<128xi32, #tpu.memory_space<vmem>>) semaphore(%arg9 : memref<!tpu.dma_semaphore, #tpu.memory_space<semaphore_mem>>) {add = true}
      %mul3A_103 = arith.constant 8 : i32
      %mul3A_104 = arith.muli %scan3A_76, %mul3A_103 : i32
      %add3A_105 = arith.constant 3 : i32
      %add3A_106 = arith.addi %mul3A_104, %add3A_105 : i32
      %dma_start3A_107 = arith.constant 0 : i32
      %dma_start3A_108 = tpu.memref_slice %arg5[%add3A_106, %dma_start3A_107] : memref<80x128xi32, #tpu.memory_space<vmem>> -> memref<1x128xi32, #tpu.memory_space<vmem>>
      %dma_start3A_109 = tpu.memref_squeeze %dma_start3A_108 : memref<1x128xi32, #tpu.memory_space<vmem>> -> memref<128xi32, #tpu.memory_space<vmem>>
      %dma_start3A_110 = arith.constant 0 : i32
      %dma_start3A_111 = tpu.memref_slice %arg8[%dma_start3A_110] : memref<10008xf32, #tpu.memory_space<vmem_shared>> -> memref<10008xf32, #tpu.memory_space<vmem_shared>>
      tpu.enqueue_indirect_dma source(%arg6 : memref<128xf32, #tpu.memory_space<vmem>>) target(%dma_start3A_111 : memref<10008xf32, #tpu.memory_space<vmem_shared>>) offsets(%dma_start3A_109 : memref<128xi32, #tpu.memory_space<vmem>>) semaphore(%arg9 : memref<!tpu.dma_semaphore, #tpu.memory_space<semaphore_mem>>) {add = true}
      %mul3A_112 = arith.constant 8 : i32
      %mul3A_113 = arith.muli %scan3A_76, %mul3A_112 : i32
      %add3A_114 = arith.constant 4 : i32
      %add3A_115 = arith.addi %mul3A_113, %add3A_114 : i32
      %dma_start3A_116 = arith.constant 0 : i32
      %dma_start3A_117 = tpu.memref_slice %arg5[%add3A_115, %dma_start3A_116] : memref<80x128xi32, #tpu.memory_space<vmem>> -> memref<1x128xi32, #tpu.memory_space<vmem>>
      %dma_start3A_118 = tpu.memref_squeeze %dma_start3A_117 : memref<1x128xi32, #tpu.memory_space<vmem>> -> memref<128xi32, #tpu.memory_space<vmem>>
      %dma_start3A_119 = arith.constant 0 : i32
      %dma_start3A_120 = tpu.memref_slice %arg8[%dma_start3A_119] : memref<10008xf32, #tpu.memory_space<vmem_shared>> -> memref<10008xf32, #tpu.memory_space<vmem_shared>>
      tpu.enqueue_indirect_dma source(%arg6 : memref<128xf32, #tpu.memory_space<vmem>>) target(%dma_start3A_120 : memref<10008xf32, #tpu.memory_space<vmem_shared>>) offsets(%dma_start3A_118 : memref<128xi32, #tpu.memory_space<vmem>>) semaphore(%arg9 : memref<!tpu.dma_semaphore, #tpu.memory_space<semaphore_mem>>) {add = true}
      %mul3A_121 = arith.constant 8 : i32
      %mul3A_122 = arith.muli %scan3A_76, %mul3A_121 : i32
      %add3A_123 = arith.constant 5 : i32
      %add3A_124 = arith.addi %mul3A_122, %add3A_123 : i32
      %dma_start3A_125 = arith.constant 0 : i32
      %dma_start3A_126 = tpu.memref_slice %arg5[%add3A_124, %dma_start3A_125] : memref<80x128xi32, #tpu.memory_space<vmem>> -> memref<1x128xi32, #tpu.memory_space<vmem>>
      %dma_start3A_127 = tpu.memref_squeeze %dma_start3A_126 : memref<1x128xi32, #tpu.memory_space<vmem>> -> memref<128xi32, #tpu.memory_space<vmem>>
      %dma_start3A_128 = arith.constant 0 : i32
      %dma_start3A_129 = tpu.memref_slice %arg8[%dma_start3A_128] : memref<10008xf32, #tpu.memory_space<vmem_shared>> -> memref<10008xf32, #tpu.memory_space<vmem_shared>>
      tpu.enqueue_indirect_dma source(%arg6 : memref<128xf32, #tpu.memory_space<vmem>>) target(%dma_start3A_129 : memref<10008xf32, #tpu.memory_space<vmem_shared>>) offsets(%dma_start3A_127 : memref<128xi32, #tpu.memory_space<vmem>>) semaphore(%arg9 : memref<!tpu.dma_semaphore, #tpu.memory_space<semaphore_mem>>) {add = true}
      %mul3A_130 = arith.constant 8 : i32
      %mul3A_131 = arith.muli %scan3A_76, %mul3A_130 : i32
      %add3A_132 = arith.constant 6 : i32
      %add3A_133 = arith.addi %mul3A_131, %add3A_132 : i32
      %dma_start3A_134 = arith.constant 0 : i32
      %dma_start3A_135 = tpu.memref_slice %arg5[%add3A_133, %dma_start3A_134] : memref<80x128xi32, #tpu.memory_space<vmem>> -> memref<1x128xi32, #tpu.memory_space<vmem>>
      %dma_start3A_136 = tpu.memref_squeeze %dma_start3A_135 : memref<1x128xi32, #tpu.memory_space<vmem>> -> memref<128xi32, #tpu.memory_space<vmem>>
      %dma_start3A_137 = arith.constant 0 : i32
      %dma_start3A_138 = tpu.memref_slice %arg8[%dma_start3A_137] : memref<10008xf32, #tpu.memory_space<vmem_shared>> -> memref<10008xf32, #tpu.memory_space<vmem_shared>>
      tpu.enqueue_indirect_dma source(%arg6 : memref<128xf32, #tpu.memory_space<vmem>>) target(%dma_start3A_138 : memref<10008xf32, #tpu.memory_space<vmem_shared>>) offsets(%dma_start3A_136 : memref<128xi32, #tpu.memory_space<vmem>>) semaphore(%arg9 : memref<!tpu.dma_semaphore, #tpu.memory_space<semaphore_mem>>) {add = true}
      %mul3A_139 = arith.constant 8 : i32
      %mul3A_140 = arith.muli %scan3A_76, %mul3A_139 : i32
      %add3A_141 = arith.constant 7 : i32
      %add3A_142 = arith.addi %mul3A_140, %add3A_141 : i32
      %dma_start3A_143 = arith.constant 0 : i32
      %dma_start3A_144 = tpu.memref_slice %arg5[%add3A_142, %dma_start3A_143] : memref<80x128xi32, #tpu.memory_space<vmem>> -> memref<1x128xi32, #tpu.memory_space<vmem>>
      %dma_start3A_145 = tpu.memref_squeeze %dma_start3A_144 : memref<1x128xi32, #tpu.memory_space<vmem>> -> memref<128xi32, #tpu.memory_space<vmem>>
      %dma_start3A_146 = arith.constant 0 : i32
      %dma_start3A_147 = tpu.memref_slice %arg8[%dma_start3A_146] : memref<10008xf32, #tpu.memory_space<vmem_shared>> -> memref<10008xf32, #tpu.memory_space<vmem_shared>>
      tpu.enqueue_indirect_dma source(%arg6 : memref<128xf32, #tpu.memory_space<vmem>>) target(%dma_start3A_147 : memref<10008xf32, #tpu.memory_space<vmem_shared>>) offsets(%dma_start3A_145 : memref<128xi32, #tpu.memory_space<vmem>>) semaphore(%arg9 : memref<!tpu.dma_semaphore, #tpu.memory_space<semaphore_mem>>) {add = true}
      %mul3A_148 = arith.constant 8 : i32
      %mul3A_149 = arith.muli %scan3A_76, %mul3A_148 : i32
      %add3A_150 = arith.constant 0 : i32
      %add3A_151 = arith.addi %mul3A_149, %add3A_150 : i32
      %dma_wait3A = arith.constant 0 : i32
      %dma_wait3A_152 = tpu.memref_slice %arg5[%add3A_151, %dma_wait3A] : memref<80x128xi32, #tpu.memory_space<vmem>> -> memref<1x128xi32, #tpu.memory_space<vmem>>
      %dma_wait3A_153 = tpu.memref_squeeze %dma_wait3A_152 : memref<1x128xi32, #tpu.memory_space<vmem>> -> memref<128xi32, #tpu.memory_space<vmem>>
      %dma_wait3A_154 = arith.constant 0 : i32
      %dma_wait3A_155 = tpu.memref_slice %arg8[%dma_wait3A_154] : memref<10008xf32, #tpu.memory_space<vmem_shared>> -> memref<10008xf32, #tpu.memory_space<vmem_shared>>
      tpu.wait_indirect_dma semaphore(%arg9 : memref<!tpu.dma_semaphore, #tpu.memory_space<semaphore_mem>>) src(%arg6 : memref<128xf32, #tpu.memory_space<vmem>>) dst(%dma_wait3A_155 : memref<10008xf32, #tpu.memory_space<vmem_shared>>)
      %mul3A_156 = arith.constant 8 : i32
      %mul3A_157 = arith.muli %scan3A_76, %mul3A_156 : i32
      %add3A_158 = arith.constant 1 : i32
      %add3A_159 = arith.addi %mul3A_157, %add3A_158 : i32
      %dma_wait3A_160 = arith.constant 0 : i32
      %dma_wait3A_161 = tpu.memref_slice %arg5[%add3A_159, %dma_wait3A_160] : memref<80x128xi32, #tpu.memory_space<vmem>> -> memref<1x128xi32, #tpu.memory_space<vmem>>
      %dma_wait3A_162 = tpu.memref_squeeze %dma_wait3A_161 : memref<1x128xi32, #tpu.memory_space<vmem>> -> memref<128xi32, #tpu.memory_space<vmem>>
      %dma_wait3A_163 = arith.constant 0 : i32
      %dma_wait3A_164 = tpu.memref_slice %arg8[%dma_wait3A_163] : memref<10008xf32, #tpu.memory_space<vmem_shared>> -> memref<10008xf32, #tpu.memory_space<vmem_shared>>
      tpu.wait_indirect_dma semaphore(%arg9 : memref<!tpu.dma_semaphore, #tpu.memory_space<semaphore_mem>>) src(%arg6 : memref<128xf32, #tpu.memory_space<vmem>>) dst(%dma_wait3A_164 : memref<10008xf32, #tpu.memory_space<vmem_shared>>)
      %mul3A_165 = arith.constant 8 : i32
      %mul3A_166 = arith.muli %scan3A_76, %mul3A_165 : i32
      %add3A_167 = arith.constant 2 : i32
      %add3A_168 = arith.addi %mul3A_166, %add3A_167 : i32
      %dma_wait3A_169 = arith.constant 0 : i32
      %dma_wait3A_170 = tpu.memref_slice %arg5[%add3A_168, %dma_wait3A_169] : memref<80x128xi32, #tpu.memory_space<vmem>> -> memref<1x128xi32, #tpu.memory_space<vmem>>
      %dma_wait3A_171 = tpu.memref_squeeze %dma_wait3A_170 : memref<1x128xi32, #tpu.memory_space<vmem>> -> memref<128xi32, #tpu.memory_space<vmem>>
      %dma_wait3A_172 = arith.constant 0 : i32
      %dma_wait3A_173 = tpu.memref_slice %arg8[%dma_wait3A_172] : memref<10008xf32, #tpu.memory_space<vmem_shared>> -> memref<10008xf32, #tpu.memory_space<vmem_shared>>
      tpu.wait_indirect_dma semaphore(%arg9 : memref<!tpu.dma_semaphore, #tpu.memory_space<semaphore_mem>>) src(%arg6 : memref<128xf32, #tpu.memory_space<vmem>>) dst(%dma_wait3A_173 : memref<10008xf32, #tpu.memory_space<vmem_shared>>)
      %mul3A_174 = arith.constant 8 : i32
      %mul3A_175 = arith.muli %scan3A_76, %mul3A_174 : i32
      %add3A_176 = arith.constant 3 : i32
      %add3A_177 = arith.addi %mul3A_175, %add3A_176 : i32
      %dma_wait3A_178 = arith.constant 0 : i32
      %dma_wait3A_179 = tpu.memref_slice %arg5[%add3A_177, %dma_wait3A_178] : memref<80x128xi32, #tpu.memory_space<vmem>> -> memref<1x128xi32, #tpu.memory_space<vmem>>
      %dma_wait3A_180 = tpu.memref_squeeze %dma_wait3A_179 : memref<1x128xi32, #tpu.memory_space<vmem>> -> memref<128xi32, #tpu.memory_space<vmem>>
      %dma_wait3A_181 = arith.constant 0 : i32
      %dma_wait3A_182 = tpu.memref_slice %arg8[%dma_wait3A_181] : memref<10008xf32, #tpu.memory_space<vmem_shared>> -> memref<10008xf32, #tpu.memory_space<vmem_shared>>
      tpu.wait_indirect_dma semaphore(%arg9 : memref<!tpu.dma_semaphore, #tpu.memory_space<semaphore_mem>>) src(%arg6 : memref<128xf32, #tpu.memory_space<vmem>>) dst(%dma_wait3A_182 : memref<10008xf32, #tpu.memory_space<vmem_shared>>)
      %mul3A_183 = arith.constant 8 : i32
      %mul3A_184 = arith.muli %scan3A_76, %mul3A_183 : i32
      %add3A_185 = arith.constant 4 : i32
      %add3A_186 = arith.addi %mul3A_184, %add3A_185 : i32
      %dma_wait3A_187 = arith.constant 0 : i32
      %dma_wait3A_188 = tpu.memref_slice %arg5[%add3A_186, %dma_wait3A_187] : memref<80x128xi32, #tpu.memory_space<vmem>> -> memref<1x128xi32, #tpu.memory_space<vmem>>
      %dma_wait3A_189 = tpu.memref_squeeze %dma_wait3A_188 : memref<1x128xi32, #tpu.memory_space<vmem>> -> memref<128xi32, #tpu.memory_space<vmem>>
      %dma_wait3A_190 = arith.constant 0 : i32
      %dma_wait3A_191 = tpu.memref_slice %arg8[%dma_wait3A_190] : memref<10008xf32, #tpu.memory_space<vmem_shared>> -> memref<10008xf32, #tpu.memory_space<vmem_shared>>
      tpu.wait_indirect_dma semaphore(%arg9 : memref<!tpu.dma_semaphore, #tpu.memory_space<semaphore_mem>>) src(%arg6 : memref<128xf32, #tpu.memory_space<vmem>>) dst(%dma_wait3A_191 : memref<10008xf32, #tpu.memory_space<vmem_shared>>)
      %mul3A_192 = arith.constant 8 : i32
      %mul3A_193 = arith.muli %scan3A_76, %mul3A_192 : i32
      %add3A_194 = arith.constant 5 : i32
      %add3A_195 = arith.addi %mul3A_193, %add3A_194 : i32
      %dma_wait3A_196 = arith.constant 0 : i32
      %dma_wait3A_197 = tpu.memref_slice %arg5[%add3A_195, %dma_wait3A_196] : memref<80x128xi32, #tpu.memory_space<vmem>> -> memref<1x128xi32, #tpu.memory_space<vmem>>
      %dma_wait3A_198 = tpu.memref_squeeze %dma_wait3A_197 : memref<1x128xi32, #tpu.memory_space<vmem>> -> memref<128xi32, #tpu.memory_space<vmem>>
      %dma_wait3A_199 = arith.constant 0 : i32
      %dma_wait3A_200 = tpu.memref_slice %arg8[%dma_wait3A_199] : memref<10008xf32, #tpu.memory_space<vmem_shared>> -> memref<10008xf32, #tpu.memory_space<vmem_shared>>
      tpu.wait_indirect_dma semaphore(%arg9 : memref<!tpu.dma_semaphore, #tpu.memory_space<semaphore_mem>>) src(%arg6 : memref<128xf32, #tpu.memory_space<vmem>>) dst(%dma_wait3A_200 : memref<10008xf32, #tpu.memory_space<vmem_shared>>)
      %mul3A_201 = arith.constant 8 : i32
      %mul3A_202 = arith.muli %scan3A_76, %mul3A_201 : i32
      %add3A_203 = arith.constant 6 : i32
      %add3A_204 = arith.addi %mul3A_202, %add3A_203 : i32
      %dma_wait3A_205 = arith.constant 0 : i32
      %dma_wait3A_206 = tpu.memref_slice %arg5[%add3A_204, %dma_wait3A_205] : memref<80x128xi32, #tpu.memory_space<vmem>> -> memref<1x128xi32, #tpu.memory_space<vmem>>
      %dma_wait3A_207 = tpu.memref_squeeze %dma_wait3A_206 : memref<1x128xi32, #tpu.memory_space<vmem>> -> memref<128xi32, #tpu.memory_space<vmem>>
      %dma_wait3A_208 = arith.constant 0 : i32
      %dma_wait3A_209 = tpu.memref_slice %arg8[%dma_wait3A_208] : memref<10008xf32, #tpu.memory_space<vmem_shared>> -> memref<10008xf32, #tpu.memory_space<vmem_shared>>
      tpu.wait_indirect_dma semaphore(%arg9 : memref<!tpu.dma_semaphore, #tpu.memory_space<semaphore_mem>>) src(%arg6 : memref<128xf32, #tpu.memory_space<vmem>>) dst(%dma_wait3A_209 : memref<10008xf32, #tpu.memory_space<vmem_shared>>)
      %mul3A_210 = arith.constant 8 : i32
      %mul3A_211 = arith.muli %scan3A_76, %mul3A_210 : i32
      %add3A_212 = arith.constant 7 : i32
      %add3A_213 = arith.addi %mul3A_211, %add3A_212 : i32
      %dma_wait3A_214 = arith.constant 0 : i32
      %dma_wait3A_215 = tpu.memref_slice %arg5[%add3A_213, %dma_wait3A_214] : memref<80x128xi32, #tpu.memory_space<vmem>> -> memref<1x128xi32, #tpu.memory_space<vmem>>
      %dma_wait3A_216 = tpu.memref_squeeze %dma_wait3A_215 : memref<1x128xi32, #tpu.memory_space<vmem>> -> memref<128xi32, #tpu.memory_space<vmem>>
      %dma_wait3A_217 = arith.constant 0 : i32
      %dma_wait3A_218 = tpu.memref_slice %arg8[%dma_wait3A_217] : memref<10008xf32, #tpu.memory_space<vmem_shared>> -> memref<10008xf32, #tpu.memory_space<vmem_shared>>
      tpu.wait_indirect_dma semaphore(%arg9 : memref<!tpu.dma_semaphore, #tpu.memory_space<semaphore_mem>>) src(%arg6 : memref<128xf32, #tpu.memory_space<vmem>>) dst(%dma_wait3A_218 : memref<10008xf32, #tpu.memory_space<vmem_shared>>)
    }
    %scan3A_64 = arith.constant 10 : i32
    %barrier3A_65 = arith.constant 0 : index
    tpu.barrier barrier_id(%barrier3A_65)
    %ne3A_66 = arith.constant 15 : i32
    %ne3A_67 = arith.cmpi ne, %arg1, %ne3A_66 : i32
    %convert_element_type3A_68 = arith.extui %ne3A_67 : i1 to i32
    %cond3A_69 = arith.constant 0 : i32
    %cond3A_70 = arith.cmpi ne, %convert_element_type3A_68, %cond3A_69 : i32
    scf.if %cond3A_70 {
      %mul3A_76 = arith.constant 632 : i32
      %mul3A_77 = arith.muli %arg1, %mul3A_76 : i32
      "tpu.region"() ({
        %run_scoped3A = tpu.sem_alloc : memref<!tpu.dma_semaphore, #tpu.memory_space<semaphore_mem>>
        %dma_start3A = arith.constant 0 : i32
        %dma_start3A_81 = tpu.memref_slice %arg7[%dma_start3A] : memref<632xf32, #tpu.memory_space<vmem>> -> memref<632xf32, #tpu.memory_space<vmem>>
        %dma_start3A_82 = tpu.memref_slice %arg8[%mul3A_77] : memref<10008xf32, #tpu.memory_space<vmem_shared>> -> memref<632xf32, #tpu.memory_space<vmem_shared>>
        %dma_start3A_83 = arith.constant 0 : i32
        %dma_start3A_84 = tpu.memref_slice %arg7[%dma_start3A_83] : memref<632xf32, #tpu.memory_space<vmem>> -> memref<632xf32, #tpu.memory_space<vmem>>
        %dma_start3A_85 = tpu.memref_slice %arg8[%mul3A_77] : memref<10008xf32, #tpu.memory_space<vmem_shared>> -> memref<632xf32, #tpu.memory_space<vmem_shared>>
        tpu.enqueue_dma source(%dma_start3A_85 : memref<632xf32, #tpu.memory_space<vmem_shared>>) target(%dma_start3A_84 : memref<632xf32, #tpu.memory_space<vmem>>) target_semaphore(%run_scoped3A : memref<!tpu.dma_semaphore, #tpu.memory_space<semaphore_mem>>)
        %dma_wait3A = arith.constant 0 : i32
        %dma_wait3A_86 = tpu.memref_slice %arg7[%dma_wait3A] : memref<632xf32, #tpu.memory_space<vmem>> -> memref<632xf32, #tpu.memory_space<vmem>>
        %dma_wait3A_87 = tpu.memref_slice %arg8[%mul3A_77] : memref<10008xf32, #tpu.memory_space<vmem_shared>> -> memref<632xf32, #tpu.memory_space<vmem_shared>>
        %dma_wait3A_88 = arith.constant 0 : i32
        %dma_wait3A_89 = tpu.memref_slice %arg7[%dma_wait3A_88] : memref<632xf32, #tpu.memory_space<vmem>> -> memref<632xf32, #tpu.memory_space<vmem>>
        %dma_wait3A_90 = tpu.memref_slice %arg8[%mul3A_77] : memref<10008xf32, #tpu.memory_space<vmem_shared>> -> memref<632xf32, #tpu.memory_space<vmem_shared>>
        tpu.wait_dma2 semaphore(%run_scoped3A : memref<!tpu.dma_semaphore, #tpu.memory_space<semaphore_mem>>) src(%dma_wait3A_90 : memref<632xf32, #tpu.memory_space<vmem_shared>>) dst(%dma_wait3A_89 : memref<632xf32, #tpu.memory_space<vmem>>)
        tpu.yield
      }) : () -> ()
      %mul3A_78 = arith.constant 10000 : i32
      %mul3A_79 = arith.muli %arg0, %mul3A_78 : i32
      %add3A_80 = arith.addi %mul3A_79, %mul3A_77 : i32
      "tpu.region"() ({
        %run_scoped3A = tpu.sem_alloc : memref<!tpu.dma_semaphore, #tpu.memory_space<semaphore_mem>>
        %dma_start3A = arith.constant 0 : i32
        %dma_start3A_81 = tpu.memref_slice %arg7[%dma_start3A] : memref<632xf32, #tpu.memory_space<vmem>> -> memref<632xf32, #tpu.memory_space<vmem>>
        %dma_start3A_82 = tpu.memref_slice %arg4[%add3A_80] : memref<20000xf32, #tpu.memory_space<hbm>> -> memref<632xf32, #tpu.memory_space<hbm>>
        %dma_start3A_83 = tpu.memref_slice %arg4[%add3A_80] : memref<20000xf32, #tpu.memory_space<hbm>> -> memref<632xf32, #tpu.memory_space<hbm>>
        %dma_start3A_84 = arith.constant 0 : i32
        %dma_start3A_85 = tpu.memref_slice %arg7[%dma_start3A_84] : memref<632xf32, #tpu.memory_space<vmem>> -> memref<632xf32, #tpu.memory_space<vmem>>
        tpu.enqueue_dma source(%dma_start3A_85 : memref<632xf32, #tpu.memory_space<vmem>>) target(%dma_start3A_83 : memref<632xf32, #tpu.memory_space<hbm>>) target_semaphore(%run_scoped3A : memref<!tpu.dma_semaphore, #tpu.memory_space<semaphore_mem>>)
        %dma_wait3A = arith.constant 0 : i32
        %dma_wait3A_86 = tpu.memref_slice %arg7[%dma_wait3A] : memref<632xf32, #tpu.memory_space<vmem>> -> memref<632xf32, #tpu.memory_space<vmem>>
        %dma_wait3A_87 = tpu.memref_slice %arg4[%add3A_80] : memref<20000xf32, #tpu.memory_space<hbm>> -> memref<632xf32, #tpu.memory_space<hbm>>
        %dma_wait3A_88 = tpu.memref_slice %arg4[%add3A_80] : memref<20000xf32, #tpu.memory_space<hbm>> -> memref<632xf32, #tpu.memory_space<hbm>>
        %dma_wait3A_89 = arith.constant 0 : i32
        %dma_wait3A_90 = tpu.memref_slice %arg7[%dma_wait3A_89] : memref<632xf32, #tpu.memory_space<vmem>> -> memref<632xf32, #tpu.memory_space<vmem>>
        tpu.wait_dma2 semaphore(%run_scoped3A : memref<!tpu.dma_semaphore, #tpu.memory_space<semaphore_mem>>) src(%dma_wait3A_90 : memref<632xf32, #tpu.memory_space<vmem>>) dst(%dma_wait3A_88 : memref<632xf32, #tpu.memory_space<hbm>>)
        tpu.yield
      }) : () -> ()
    } else {
    }
    %eq3A_71 = arith.constant 15 : i32
    %eq3A_72 = arith.cmpi eq, %arg1, %eq3A_71 : i32
    %convert_element_type3A_73 = arith.extui %eq3A_72 : i1 to i32
    %cond3A_74 = arith.constant 0 : i32
    %cond3A_75 = arith.cmpi ne, %convert_element_type3A_73, %cond3A_74 : i32
    scf.if %cond3A_75 {
      "tpu.region"() ({
        %run_scoped3A = tpu.sem_alloc : memref<!tpu.dma_semaphore, #tpu.memory_space<semaphore_mem>>
        %dma_start3A = arith.constant 0 : i32
        %dma_start3A_80 = tpu.memref_slice %arg7[%dma_start3A] : memref<632xf32, #tpu.memory_space<vmem>> -> memref<520xf32, #tpu.memory_space<vmem>>
        %dma_start3A_81 = arith.constant 9480 : i32
        %dma_start3A_82 = tpu.memref_slice %arg8[%dma_start3A_81] : memref<10008xf32, #tpu.memory_space<vmem_shared>> -> memref<520xf32, #tpu.memory_space<vmem_shared>>
        %dma_start3A_83 = arith.constant 0 : i32
        %dma_start3A_84 = tpu.memref_slice %arg7[%dma_start3A_83] : memref<632xf32, #tpu.memory_space<vmem>> -> memref<520xf32, #tpu.memory_space<vmem>>
        %dma_start3A_85 = arith.constant 9480 : i32
        %dma_start3A_86 = tpu.memref_slice %arg8[%dma_start3A_85] : memref<10008xf32, #tpu.memory_space<vmem_shared>> -> memref<520xf32, #tpu.memory_space<vmem_shared>>
        tpu.enqueue_dma source(%dma_start3A_86 : memref<520xf32, #tpu.memory_space<vmem_shared>>) target(%dma_start3A_84 : memref<520xf32, #tpu.memory_space<vmem>>) target_semaphore(%run_scoped3A : memref<!tpu.dma_semaphore, #tpu.memory_space<semaphore_mem>>)
        %dma_wait3A = arith.constant 0 : i32
        %dma_wait3A_87 = tpu.memref_slice %arg7[%dma_wait3A] : memref<632xf32, #tpu.memory_space<vmem>> -> memref<520xf32, #tpu.memory_space<vmem>>
        %dma_wait3A_88 = arith.constant 9480 : i32
        %dma_wait3A_89 = tpu.memref_slice %arg8[%dma_wait3A_88] : memref<10008xf32, #tpu.memory_space<vmem_shared>> -> memref<520xf32, #tpu.memory_space<vmem_shared>>
        %dma_wait3A_90 = arith.constant 0 : i32
        %dma_wait3A_91 = tpu.memref_slice %arg7[%dma_wait3A_90] : memref<632xf32, #tpu.memory_space<vmem>> -> memref<520xf32, #tpu.memory_space<vmem>>
        %dma_wait3A_92 = arith.constant 9480 : i32
        %dma_wait3A_93 = tpu.memref_slice %arg8[%dma_wait3A_92] : memref<10008xf32, #tpu.memory_space<vmem_shared>> -> memref<520xf32, #tpu.memory_space<vmem_shared>>
        tpu.wait_dma2 semaphore(%run_scoped3A : memref<!tpu.dma_semaphore, #tpu.memory_space<semaphore_mem>>) src(%dma_wait3A_93 : memref<520xf32, #tpu.memory_space<vmem_shared>>) dst(%dma_wait3A_91 : memref<520xf32, #tpu.memory_space<vmem>>)
        tpu.yield
      }) : () -> ()
      %mul3A_76 = arith.constant 10000 : i32
      %mul3A_77 = arith.muli %arg0, %mul3A_76 : i32
      %add3A_78 = arith.constant 9480 : i32
      %add3A_79 = arith.addi %mul3A_77, %add3A_78 : i32
      "tpu.region"() ({
        %run_scoped3A = tpu.sem_alloc : memref<!tpu.dma_semaphore, #tpu.memory_space<semaphore_mem>>
        %dma_start3A = arith.constant 0 : i32
        %dma_start3A_80 = tpu.memref_slice %arg7[%dma_start3A] : memref<632xf32, #tpu.memory_space<vmem>> -> memref<520xf32, #tpu.memory_space<vmem>>
        %dma_start3A_81 = tpu.memref_slice %arg4[%add3A_79] : memref<20000xf32, #tpu.memory_space<hbm>> -> memref<520xf32, #tpu.memory_space<hbm>>
        %dma_start3A_82 = tpu.memref_slice %arg4[%add3A_79] : memref<20000xf32, #tpu.memory_space<hbm>> -> memref<520xf32, #tpu.memory_space<hbm>>
        %dma_start3A_83 = arith.constant 0 : i32
        %dma_start3A_84 = tpu.memref_slice %arg7[%dma_start3A_83] : memref<632xf32, #tpu.memory_space<vmem>> -> memref<520xf32, #tpu.memory_space<vmem>>
        tpu.enqueue_dma source(%dma_start3A_84 : memref<520xf32, #tpu.memory_space<vmem>>) target(%dma_start3A_82 : memref<520xf32, #tpu.memory_space<hbm>>) target_semaphore(%run_scoped3A : memref<!tpu.dma_semaphore, #tpu.memory_space<semaphore_mem>>)
        %dma_wait3A = arith.constant 0 : i32
        %dma_wait3A_85 = tpu.memref_slice %arg7[%dma_wait3A] : memref<632xf32, #tpu.memory_space<vmem>> -> memref<520xf32, #tpu.memory_space<vmem>>
        %dma_wait3A_86 = tpu.memref_slice %arg4[%add3A_79] : memref<20000xf32, #tpu.memory_space<hbm>> -> memref<520xf32, #tpu.memory_space<hbm>>
        %dma_wait3A_87 = tpu.memref_slice %arg4[%add3A_79] : memref<20000xf32, #tpu.memory_space<hbm>> -> memref<520xf32, #tpu.memory_space<hbm>>
        %dma_wait3A_88 = arith.constant 0 : i32
        %dma_wait3A_89 = tpu.memref_slice %arg7[%dma_wait3A_88] : memref<632xf32, #tpu.memory_space<vmem>> -> memref<520xf32, #tpu.memory_space<vmem>>
        tpu.wait_dma2 semaphore(%run_scoped3A : memref<!tpu.dma_semaphore, #tpu.memory_space<semaphore_mem>>) src(%dma_wait3A_89 : memref<520xf32, #tpu.memory_space<vmem>>) dst(%dma_wait3A_87 : memref<520xf32, #tpu.memory_space<hbm>>)
        tpu.yield
      }) : () -> ()
    } else {
    }
    return
  }
}

#map = affine_map<(d0, d1) -> (0, 0)>
module attributes {stable_mosaic.version = 14 : i64} {
  func.func @_prop_kernel(%arg0: i32, %arg1: i32, %arg2: memref<2560x128xi32, #tpu.memory_space<hbm>>, %arg3: memref<2560x128xi32, #tpu.memory_space<hbm>>, %arg4: memref<10000x64xf32, #tpu.memory_space<hbm>>, %arg5: memref<320x64xf32, #tpu.memory_space<hbm>>, %arg6: memref<20000x64xf32, #tpu.memory_space<hbm>>, %arg7: memref<80x128xi32, #tpu.memory_space<vmem>>, %arg8: memref<80x128xi32, #tpu.memory_space<vmem>>, %arg9: memref<128x64xf32, #tpu.memory_space<vmem>>, %arg10: memref<128x64xf32, #tpu.memory_space<vmem>>, %arg11: memref<128x64xf32, #tpu.memory_space<vmem>>, %arg12: memref<128x64xf32, #tpu.memory_space<vmem>>, %arg13: memref<320x64xf32, #tpu.memory_space<vmem>>, %arg14: memref<10008x64xf32, #tpu.memory_space<vmem_shared>>, %arg15: memref<!tpu.dma_semaphore, #tpu.memory_space<semaphore_mem>>, %arg16: memref<!tpu.dma_semaphore, #tpu.memory_space<semaphore_mem>>, %arg17: memref<!tpu.dma_semaphore, #tpu.memory_space<semaphore_mem>>, %arg18: memref<!tpu.dma_semaphore, #tpu.memory_space<semaphore_mem>>, %arg19: memref<!tpu.dma_semaphore, #tpu.memory_space<semaphore_mem>>, %arg20: memref<!tpu.dma_semaphore, #tpu.memory_space<semaphore_mem>>, %arg21: memref<!tpu.dma_semaphore, #tpu.memory_space<semaphore_mem>>, %arg22: memref<!tpu.dma_semaphore, #tpu.memory_space<semaphore_mem>>) attributes {dimension_semantics = [#tpu.dimension_semantics<core_parallel>, #tpu.dimension_semantics<subcore_parallel>], iteration_bounds = array<i64: 2, 16>, scalar_prefetch = 0 : i64, scratch_operands = 16 : i64, tpu.core_type = #tpu.core_type<sc_vector_subcore>, window_params = [{transform_indices = #map}, {transform_indices = #map}, {transform_indices = #map}, {transform_indices = #map}, {transform_indices = #map}]} {
    %mul3A = arith.constant 2 : i32
    %mul3A_0 = arith.muli %arg1, %mul3A : i32
    %add3A = arith.addi %mul3A_0, %arg0 : i32
    "tpu.region"() ({
      %run_scoped3A = tpu.sem_alloc : memref<!tpu.dma_semaphore, #tpu.memory_space<semaphore_mem>>
      tpu.enqueue_dma source(%arg5 : memref<320x64xf32, #tpu.memory_space<hbm>>) target(%arg13 : memref<320x64xf32, #tpu.memory_space<vmem>>) target_semaphore(%run_scoped3A : memref<!tpu.dma_semaphore, #tpu.memory_space<semaphore_mem>>)
      tpu.wait_dma2 semaphore(%run_scoped3A : memref<!tpu.dma_semaphore, #tpu.memory_space<semaphore_mem>>) src(%arg5 : memref<320x64xf32, #tpu.memory_space<hbm>>) dst(%arg13 : memref<320x64xf32, #tpu.memory_space<vmem>>)
      tpu.yield
    }) : () -> ()
    %ne3A = arith.constant 15 : i32
    %ne3A_1 = arith.cmpi ne, %arg1, %ne3A : i32
    %convert_element_type3A = arith.extui %ne3A_1 : i1 to i32
    %cond3A = arith.constant 0 : i32
    %cond3A_2 = arith.cmpi ne, %convert_element_type3A, %cond3A : i32
    scf.if %cond3A_2 {
      %mul3A_79 = arith.constant 632 : i32
      %mul3A_80 = arith.muli %arg1, %mul3A_79 : i32
      %add3A_81 = arith.constant 0 : i32
      %add3A_82 = arith.addi %mul3A_80, %add3A_81 : i32
      "tpu.region"() ({
        %run_scoped3A = tpu.sem_alloc : memref<!tpu.dma_semaphore, #tpu.memory_space<semaphore_mem>>
        %dma_start3A_87 = arith.constant 0 : i32
        %dma_start3A_88 = arith.constant 0 : i32
        %dma_start3A_89 = tpu.memref_slice %arg13[%dma_start3A_87, %dma_start3A_88] : memref<320x64xf32, #tpu.memory_space<vmem>> -> memref<320x64xf32, #tpu.memory_space<vmem>>
        %dma_start3A_90 = arith.constant 0 : i32
        %dma_start3A_91 = tpu.memref_slice %arg14[%add3A_82, %dma_start3A_90] : memref<10008x64xf32, #tpu.memory_space<vmem_shared>> -> memref<320x64xf32, #tpu.memory_space<vmem_shared>>
        %dma_start3A_92 = arith.constant 0 : i32
        %dma_start3A_93 = tpu.memref_slice %arg14[%add3A_82, %dma_start3A_92] : memref<10008x64xf32, #tpu.memory_space<vmem_shared>> -> memref<320x64xf32, #tpu.memory_space<vmem_shared>>
        %dma_start3A_94 = arith.constant 0 : i32
        %dma_start3A_95 = arith.constant 0 : i32
        %dma_start3A_96 = tpu.memref_slice %arg13[%dma_start3A_94, %dma_start3A_95] : memref<320x64xf32, #tpu.memory_space<vmem>> -> memref<320x64xf32, #tpu.memory_space<vmem>>
        tpu.enqueue_dma source(%dma_start3A_96 : memref<320x64xf32, #tpu.memory_space<vmem>>) target(%dma_start3A_93 : memref<320x64xf32, #tpu.memory_space<vmem_shared>>) target_semaphore(%run_scoped3A : memref<!tpu.dma_semaphore, #tpu.memory_space<semaphore_mem>>)
        %dma_wait3A_97 = arith.constant 0 : i32
        %dma_wait3A_98 = arith.constant 0 : i32
        %dma_wait3A_99 = tpu.memref_slice %arg13[%dma_wait3A_97, %dma_wait3A_98] : memref<320x64xf32, #tpu.memory_space<vmem>> -> memref<320x64xf32, #tpu.memory_space<vmem>>
        %dma_wait3A_100 = arith.constant 0 : i32
        %dma_wait3A_101 = tpu.memref_slice %arg14[%add3A_82, %dma_wait3A_100] : memref<10008x64xf32, #tpu.memory_space<vmem_shared>> -> memref<320x64xf32, #tpu.memory_space<vmem_shared>>
        %dma_wait3A_102 = arith.constant 0 : i32
        %dma_wait3A_103 = tpu.memref_slice %arg14[%add3A_82, %dma_wait3A_102] : memref<10008x64xf32, #tpu.memory_space<vmem_shared>> -> memref<320x64xf32, #tpu.memory_space<vmem_shared>>
        %dma_wait3A_104 = arith.constant 0 : i32
        %dma_wait3A_105 = arith.constant 0 : i32
        %dma_wait3A_106 = tpu.memref_slice %arg13[%dma_wait3A_104, %dma_wait3A_105] : memref<320x64xf32, #tpu.memory_space<vmem>> -> memref<320x64xf32, #tpu.memory_space<vmem>>
        tpu.wait_dma2 semaphore(%run_scoped3A : memref<!tpu.dma_semaphore, #tpu.memory_space<semaphore_mem>>) src(%dma_wait3A_106 : memref<320x64xf32, #tpu.memory_space<vmem>>) dst(%dma_wait3A_103 : memref<320x64xf32, #tpu.memory_space<vmem_shared>>)
        tpu.yield
      }) : () -> ()
      %mul3A_83 = arith.constant 632 : i32
      %mul3A_84 = arith.muli %arg1, %mul3A_83 : i32
      %add3A_85 = arith.constant 320 : i32
      %add3A_86 = arith.addi %mul3A_84, %add3A_85 : i32
      "tpu.region"() ({
        %run_scoped3A = tpu.sem_alloc : memref<!tpu.dma_semaphore, #tpu.memory_space<semaphore_mem>>
        %dma_start3A_87 = arith.constant 0 : i32
        %dma_start3A_88 = arith.constant 0 : i32
        %dma_start3A_89 = tpu.memref_slice %arg13[%dma_start3A_87, %dma_start3A_88] : memref<320x64xf32, #tpu.memory_space<vmem>> -> memref<312x64xf32, #tpu.memory_space<vmem>>
        %dma_start3A_90 = arith.constant 0 : i32
        %dma_start3A_91 = tpu.memref_slice %arg14[%add3A_86, %dma_start3A_90] : memref<10008x64xf32, #tpu.memory_space<vmem_shared>> -> memref<312x64xf32, #tpu.memory_space<vmem_shared>>
        %dma_start3A_92 = arith.constant 0 : i32
        %dma_start3A_93 = tpu.memref_slice %arg14[%add3A_86, %dma_start3A_92] : memref<10008x64xf32, #tpu.memory_space<vmem_shared>> -> memref<312x64xf32, #tpu.memory_space<vmem_shared>>
        %dma_start3A_94 = arith.constant 0 : i32
        %dma_start3A_95 = arith.constant 0 : i32
        %dma_start3A_96 = tpu.memref_slice %arg13[%dma_start3A_94, %dma_start3A_95] : memref<320x64xf32, #tpu.memory_space<vmem>> -> memref<312x64xf32, #tpu.memory_space<vmem>>
        tpu.enqueue_dma source(%dma_start3A_96 : memref<312x64xf32, #tpu.memory_space<vmem>>) target(%dma_start3A_93 : memref<312x64xf32, #tpu.memory_space<vmem_shared>>) target_semaphore(%run_scoped3A : memref<!tpu.dma_semaphore, #tpu.memory_space<semaphore_mem>>)
        %dma_wait3A_97 = arith.constant 0 : i32
        %dma_wait3A_98 = arith.constant 0 : i32
        %dma_wait3A_99 = tpu.memref_slice %arg13[%dma_wait3A_97, %dma_wait3A_98] : memref<320x64xf32, #tpu.memory_space<vmem>> -> memref<312x64xf32, #tpu.memory_space<vmem>>
        %dma_wait3A_100 = arith.constant 0 : i32
        %dma_wait3A_101 = tpu.memref_slice %arg14[%add3A_86, %dma_wait3A_100] : memref<10008x64xf32, #tpu.memory_space<vmem_shared>> -> memref<312x64xf32, #tpu.memory_space<vmem_shared>>
        %dma_wait3A_102 = arith.constant 0 : i32
        %dma_wait3A_103 = tpu.memref_slice %arg14[%add3A_86, %dma_wait3A_102] : memref<10008x64xf32, #tpu.memory_space<vmem_shared>> -> memref<312x64xf32, #tpu.memory_space<vmem_shared>>
        %dma_wait3A_104 = arith.constant 0 : i32
        %dma_wait3A_105 = arith.constant 0 : i32
        %dma_wait3A_106 = tpu.memref_slice %arg13[%dma_wait3A_104, %dma_wait3A_105] : memref<320x64xf32, #tpu.memory_space<vmem>> -> memref<312x64xf32, #tpu.memory_space<vmem>>
        tpu.wait_dma2 semaphore(%run_scoped3A : memref<!tpu.dma_semaphore, #tpu.memory_space<semaphore_mem>>) src(%dma_wait3A_106 : memref<312x64xf32, #tpu.memory_space<vmem>>) dst(%dma_wait3A_103 : memref<312x64xf32, #tpu.memory_space<vmem_shared>>)
        tpu.yield
      }) : () -> ()
    } else {
    }
    %eq3A = arith.constant 15 : i32
    %eq3A_3 = arith.cmpi eq, %arg1, %eq3A : i32
    %convert_element_type3A_4 = arith.extui %eq3A_3 : i1 to i32
    %cond3A_5 = arith.constant 0 : i32
    %cond3A_6 = arith.cmpi ne, %convert_element_type3A_4, %cond3A_5 : i32
    scf.if %cond3A_6 {
      "tpu.region"() ({
        %run_scoped3A = tpu.sem_alloc : memref<!tpu.dma_semaphore, #tpu.memory_space<semaphore_mem>>
        %dma_start3A_79 = arith.constant 0 : i32
        %dma_start3A_80 = arith.constant 0 : i32
        %dma_start3A_81 = tpu.memref_slice %arg13[%dma_start3A_79, %dma_start3A_80] : memref<320x64xf32, #tpu.memory_space<vmem>> -> memref<320x64xf32, #tpu.memory_space<vmem>>
        %dma_start3A_82 = arith.constant 9480 : i32
        %dma_start3A_83 = arith.constant 0 : i32
        %dma_start3A_84 = tpu.memref_slice %arg14[%dma_start3A_82, %dma_start3A_83] : memref<10008x64xf32, #tpu.memory_space<vmem_shared>> -> memref<320x64xf32, #tpu.memory_space<vmem_shared>>
        %dma_start3A_85 = arith.constant 9480 : i32
        %dma_start3A_86 = arith.constant 0 : i32
        %dma_start3A_87 = tpu.memref_slice %arg14[%dma_start3A_85, %dma_start3A_86] : memref<10008x64xf32, #tpu.memory_space<vmem_shared>> -> memref<320x64xf32, #tpu.memory_space<vmem_shared>>
        %dma_start3A_88 = arith.constant 0 : i32
        %dma_start3A_89 = arith.constant 0 : i32
        %dma_start3A_90 = tpu.memref_slice %arg13[%dma_start3A_88, %dma_start3A_89] : memref<320x64xf32, #tpu.memory_space<vmem>> -> memref<320x64xf32, #tpu.memory_space<vmem>>
        tpu.enqueue_dma source(%dma_start3A_90 : memref<320x64xf32, #tpu.memory_space<vmem>>) target(%dma_start3A_87 : memref<320x64xf32, #tpu.memory_space<vmem_shared>>) target_semaphore(%run_scoped3A : memref<!tpu.dma_semaphore, #tpu.memory_space<semaphore_mem>>)
        %dma_wait3A_91 = arith.constant 0 : i32
        %dma_wait3A_92 = arith.constant 0 : i32
        %dma_wait3A_93 = tpu.memref_slice %arg13[%dma_wait3A_91, %dma_wait3A_92] : memref<320x64xf32, #tpu.memory_space<vmem>> -> memref<320x64xf32, #tpu.memory_space<vmem>>
        %dma_wait3A_94 = arith.constant 9480 : i32
        %dma_wait3A_95 = arith.constant 0 : i32
        %dma_wait3A_96 = tpu.memref_slice %arg14[%dma_wait3A_94, %dma_wait3A_95] : memref<10008x64xf32, #tpu.memory_space<vmem_shared>> -> memref<320x64xf32, #tpu.memory_space<vmem_shared>>
        %dma_wait3A_97 = arith.constant 9480 : i32
        %dma_wait3A_98 = arith.constant 0 : i32
        %dma_wait3A_99 = tpu.memref_slice %arg14[%dma_wait3A_97, %dma_wait3A_98] : memref<10008x64xf32, #tpu.memory_space<vmem_shared>> -> memref<320x64xf32, #tpu.memory_space<vmem_shared>>
        %dma_wait3A_100 = arith.constant 0 : i32
        %dma_wait3A_101 = arith.constant 0 : i32
        %dma_wait3A_102 = tpu.memref_slice %arg13[%dma_wait3A_100, %dma_wait3A_101] : memref<320x64xf32, #tpu.memory_space<vmem>> -> memref<320x64xf32, #tpu.memory_space<vmem>>
        tpu.wait_dma2 semaphore(%run_scoped3A : memref<!tpu.dma_semaphore, #tpu.memory_space<semaphore_mem>>) src(%dma_wait3A_102 : memref<320x64xf32, #tpu.memory_space<vmem>>) dst(%dma_wait3A_99 : memref<320x64xf32, #tpu.memory_space<vmem_shared>>)
        tpu.yield
      }) : () -> ()
      "tpu.region"() ({
        %run_scoped3A = tpu.sem_alloc : memref<!tpu.dma_semaphore, #tpu.memory_space<semaphore_mem>>
        %dma_start3A_79 = arith.constant 0 : i32
        %dma_start3A_80 = arith.constant 0 : i32
        %dma_start3A_81 = tpu.memref_slice %arg13[%dma_start3A_79, %dma_start3A_80] : memref<320x64xf32, #tpu.memory_space<vmem>> -> memref<200x64xf32, #tpu.memory_space<vmem>>
        %dma_start3A_82 = arith.constant 9800 : i32
        %dma_start3A_83 = arith.constant 0 : i32
        %dma_start3A_84 = tpu.memref_slice %arg14[%dma_start3A_82, %dma_start3A_83] : memref<10008x64xf32, #tpu.memory_space<vmem_shared>> -> memref<200x64xf32, #tpu.memory_space<vmem_shared>>
        %dma_start3A_85 = arith.constant 9800 : i32
        %dma_start3A_86 = arith.constant 0 : i32
        %dma_start3A_87 = tpu.memref_slice %arg14[%dma_start3A_85, %dma_start3A_86] : memref<10008x64xf32, #tpu.memory_space<vmem_shared>> -> memref<200x64xf32, #tpu.memory_space<vmem_shared>>
        %dma_start3A_88 = arith.constant 0 : i32
        %dma_start3A_89 = arith.constant 0 : i32
        %dma_start3A_90 = tpu.memref_slice %arg13[%dma_start3A_88, %dma_start3A_89] : memref<320x64xf32, #tpu.memory_space<vmem>> -> memref<200x64xf32, #tpu.memory_space<vmem>>
        tpu.enqueue_dma source(%dma_start3A_90 : memref<200x64xf32, #tpu.memory_space<vmem>>) target(%dma_start3A_87 : memref<200x64xf32, #tpu.memory_space<vmem_shared>>) target_semaphore(%run_scoped3A : memref<!tpu.dma_semaphore, #tpu.memory_space<semaphore_mem>>)
        %dma_wait3A_91 = arith.constant 0 : i32
        %dma_wait3A_92 = arith.constant 0 : i32
        %dma_wait3A_93 = tpu.memref_slice %arg13[%dma_wait3A_91, %dma_wait3A_92] : memref<320x64xf32, #tpu.memory_space<vmem>> -> memref<200x64xf32, #tpu.memory_space<vmem>>
        %dma_wait3A_94 = arith.constant 9800 : i32
        %dma_wait3A_95 = arith.constant 0 : i32
        %dma_wait3A_96 = tpu.memref_slice %arg14[%dma_wait3A_94, %dma_wait3A_95] : memref<10008x64xf32, #tpu.memory_space<vmem_shared>> -> memref<200x64xf32, #tpu.memory_space<vmem_shared>>
        %dma_wait3A_97 = arith.constant 9800 : i32
        %dma_wait3A_98 = arith.constant 0 : i32
        %dma_wait3A_99 = tpu.memref_slice %arg14[%dma_wait3A_97, %dma_wait3A_98] : memref<10008x64xf32, #tpu.memory_space<vmem_shared>> -> memref<200x64xf32, #tpu.memory_space<vmem_shared>>
        %dma_wait3A_100 = arith.constant 0 : i32
        %dma_wait3A_101 = arith.constant 0 : i32
        %dma_wait3A_102 = tpu.memref_slice %arg13[%dma_wait3A_100, %dma_wait3A_101] : memref<320x64xf32, #tpu.memory_space<vmem>> -> memref<200x64xf32, #tpu.memory_space<vmem>>
        tpu.wait_dma2 semaphore(%run_scoped3A : memref<!tpu.dma_semaphore, #tpu.memory_space<semaphore_mem>>) src(%dma_wait3A_102 : memref<200x64xf32, #tpu.memory_space<vmem>>) dst(%dma_wait3A_99 : memref<200x64xf32, #tpu.memory_space<vmem_shared>>)
        tpu.yield
      }) : () -> ()
    } else {
    }
    %eq3A_7 = arith.constant 0 : i32
    %eq3A_8 = arith.cmpi eq, %arg1, %eq3A_7 : i32
    %convert_element_type3A_9 = arith.extui %eq3A_8 : i1 to i32
    %cond3A_10 = arith.constant 0 : i32
    %cond3A_11 = arith.cmpi ne, %convert_element_type3A_9, %cond3A_10 : i32
    scf.if %cond3A_11 {
      "tpu.region"() ({
        %run_scoped3A = tpu.sem_alloc : memref<!tpu.dma_semaphore, #tpu.memory_space<semaphore_mem>>
        %dma_start3A_79 = arith.constant 10000 : i32
        %dma_start3A_80 = arith.constant 0 : i32
        %dma_start3A_81 = tpu.memref_slice %arg14[%dma_start3A_79, %dma_start3A_80] : memref<10008x64xf32, #tpu.memory_space<vmem_shared>> -> memref<8x64xf32, #tpu.memory_space<vmem_shared>>
        %dma_start3A_82 = arith.constant 0 : i32
        %dma_start3A_83 = arith.constant 0 : i32
        %dma_start3A_84 = tpu.memref_slice %arg5[%dma_start3A_82, %dma_start3A_83] : memref<320x64xf32, #tpu.memory_space<hbm>> -> memref<8x64xf32, #tpu.memory_space<hbm>>
        tpu.enqueue_dma source(%dma_start3A_84 : memref<8x64xf32, #tpu.memory_space<hbm>>) target(%dma_start3A_81 : memref<8x64xf32, #tpu.memory_space<vmem_shared>>) target_semaphore(%run_scoped3A : memref<!tpu.dma_semaphore, #tpu.memory_space<semaphore_mem>>)
        %dma_wait3A_85 = arith.constant 10000 : i32
        %dma_wait3A_86 = arith.constant 0 : i32
        %dma_wait3A_87 = tpu.memref_slice %arg14[%dma_wait3A_85, %dma_wait3A_86] : memref<10008x64xf32, #tpu.memory_space<vmem_shared>> -> memref<8x64xf32, #tpu.memory_space<vmem_shared>>
        %dma_wait3A_88 = arith.constant 0 : i32
        %dma_wait3A_89 = arith.constant 0 : i32
        %dma_wait3A_90 = tpu.memref_slice %arg5[%dma_wait3A_88, %dma_wait3A_89] : memref<320x64xf32, #tpu.memory_space<hbm>> -> memref<8x64xf32, #tpu.memory_space<hbm>>
        tpu.wait_dma2 semaphore(%run_scoped3A : memref<!tpu.dma_semaphore, #tpu.memory_space<semaphore_mem>>) src(%dma_wait3A_90 : memref<8x64xf32, #tpu.memory_space<hbm>>) dst(%dma_wait3A_87 : memref<8x64xf32, #tpu.memory_space<vmem_shared>>)
        tpu.yield
      }) : () -> ()
    } else {
    }
    %mul3A_12 = arith.constant 80 : i32
    %mul3A_13 = arith.muli %add3A, %mul3A_12 : i32
    "tpu.region"() ({
      %run_scoped3A = tpu.sem_alloc : memref<!tpu.dma_semaphore, #tpu.memory_space<semaphore_mem>>
      %dma_start3A_79 = arith.constant 0 : i32
      %dma_start3A_80 = tpu.memref_slice %arg2[%mul3A_13, %dma_start3A_79] : memref<2560x128xi32, #tpu.memory_space<hbm>> -> memref<80x128xi32, #tpu.memory_space<hbm>>
      %dma_start3A_81 = arith.constant 0 : i32
      %dma_start3A_82 = tpu.memref_slice %arg2[%mul3A_13, %dma_start3A_81] : memref<2560x128xi32, #tpu.memory_space<hbm>> -> memref<80x128xi32, #tpu.memory_space<hbm>>
      tpu.enqueue_dma source(%dma_start3A_82 : memref<80x128xi32, #tpu.memory_space<hbm>>) target(%arg7 : memref<80x128xi32, #tpu.memory_space<vmem>>) target_semaphore(%run_scoped3A : memref<!tpu.dma_semaphore, #tpu.memory_space<semaphore_mem>>)
      %dma_wait3A_83 = arith.constant 0 : i32
      %dma_wait3A_84 = tpu.memref_slice %arg2[%mul3A_13, %dma_wait3A_83] : memref<2560x128xi32, #tpu.memory_space<hbm>> -> memref<80x128xi32, #tpu.memory_space<hbm>>
      %dma_wait3A_85 = arith.constant 0 : i32
      %dma_wait3A_86 = tpu.memref_slice %arg2[%mul3A_13, %dma_wait3A_85] : memref<2560x128xi32, #tpu.memory_space<hbm>> -> memref<80x128xi32, #tpu.memory_space<hbm>>
      tpu.wait_dma2 semaphore(%run_scoped3A : memref<!tpu.dma_semaphore, #tpu.memory_space<semaphore_mem>>) src(%dma_wait3A_86 : memref<80x128xi32, #tpu.memory_space<hbm>>) dst(%arg7 : memref<80x128xi32, #tpu.memory_space<vmem>>)
      tpu.yield
    }) : () -> ()
    %mul3A_14 = arith.constant 80 : i32
    %mul3A_15 = arith.muli %add3A, %mul3A_14 : i32
    "tpu.region"() ({
      %run_scoped3A = tpu.sem_alloc : memref<!tpu.dma_semaphore, #tpu.memory_space<semaphore_mem>>
      %dma_start3A_79 = arith.constant 0 : i32
      %dma_start3A_80 = tpu.memref_slice %arg3[%mul3A_15, %dma_start3A_79] : memref<2560x128xi32, #tpu.memory_space<hbm>> -> memref<80x128xi32, #tpu.memory_space<hbm>>
      %dma_start3A_81 = arith.constant 0 : i32
      %dma_start3A_82 = tpu.memref_slice %arg3[%mul3A_15, %dma_start3A_81] : memref<2560x128xi32, #tpu.memory_space<hbm>> -> memref<80x128xi32, #tpu.memory_space<hbm>>
      tpu.enqueue_dma source(%dma_start3A_82 : memref<80x128xi32, #tpu.memory_space<hbm>>) target(%arg8 : memref<80x128xi32, #tpu.memory_space<vmem>>) target_semaphore(%run_scoped3A : memref<!tpu.dma_semaphore, #tpu.memory_space<semaphore_mem>>)
      %dma_wait3A_83 = arith.constant 0 : i32
      %dma_wait3A_84 = tpu.memref_slice %arg3[%mul3A_15, %dma_wait3A_83] : memref<2560x128xi32, #tpu.memory_space<hbm>> -> memref<80x128xi32, #tpu.memory_space<hbm>>
      %dma_wait3A_85 = arith.constant 0 : i32
      %dma_wait3A_86 = tpu.memref_slice %arg3[%mul3A_15, %dma_wait3A_85] : memref<2560x128xi32, #tpu.memory_space<hbm>> -> memref<80x128xi32, #tpu.memory_space<hbm>>
      tpu.wait_dma2 semaphore(%run_scoped3A : memref<!tpu.dma_semaphore, #tpu.memory_space<semaphore_mem>>) src(%dma_wait3A_86 : memref<80x128xi32, #tpu.memory_space<hbm>>) dst(%arg8 : memref<80x128xi32, #tpu.memory_space<vmem>>)
      tpu.yield
    }) : () -> ()
    %barrier3A = arith.constant 0 : index
    tpu.barrier barrier_id(%barrier3A)
    %dma_start3A = arith.constant 0 : i32
    %dma_start3A_16 = arith.constant 0 : i32
    %dma_start3A_17 = tpu.memref_slice %arg7[%dma_start3A, %dma_start3A_16] : memref<80x128xi32, #tpu.memory_space<vmem>> -> memref<1x128xi32, #tpu.memory_space<vmem>>
    %dma_start3A_18 = tpu.memref_squeeze %dma_start3A_17 : memref<1x128xi32, #tpu.memory_space<vmem>> -> memref<128xi32, #tpu.memory_space<vmem>>
    %dma_start3A_19 = arith.constant 0 : i32
    %dma_start3A_20 = arith.constant 0 : i32
    %dma_start3A_21 = tpu.memref_slice %arg4[%dma_start3A_19, %dma_start3A_20] : memref<10000x64xf32, #tpu.memory_space<hbm>> -> memref<10000x64xf32, #tpu.memory_space<hbm>>
    tpu.enqueue_indirect_dma source(%dma_start3A_21 : memref<10000x64xf32, #tpu.memory_space<hbm>>) target(%arg9 : memref<128x64xf32, #tpu.memory_space<vmem>>) offsets(%dma_start3A_18 : memref<128xi32, #tpu.memory_space<vmem>>) semaphore(%arg15 : memref<!tpu.dma_semaphore, #tpu.memory_space<semaphore_mem>>)
    %dma_start3A_22 = arith.constant 1 : i32
    %dma_start3A_23 = arith.constant 0 : i32
    %dma_start3A_24 = tpu.memref_slice %arg7[%dma_start3A_22, %dma_start3A_23] : memref<80x128xi32, #tpu.memory_space<vmem>> -> memref<1x128xi32, #tpu.memory_space<vmem>>
    %dma_start3A_25 = tpu.memref_squeeze %dma_start3A_24 : memref<1x128xi32, #tpu.memory_space<vmem>> -> memref<128xi32, #tpu.memory_space<vmem>>
    %dma_start3A_26 = arith.constant 0 : i32
    %dma_start3A_27 = arith.constant 0 : i32
    %dma_start3A_28 = tpu.memref_slice %arg4[%dma_start3A_26, %dma_start3A_27] : memref<10000x64xf32, #tpu.memory_space<hbm>> -> memref<10000x64xf32, #tpu.memory_space<hbm>>
    tpu.enqueue_indirect_dma source(%dma_start3A_28 : memref<10000x64xf32, #tpu.memory_space<hbm>>) target(%arg10 : memref<128x64xf32, #tpu.memory_space<vmem>>) offsets(%dma_start3A_25 : memref<128xi32, #tpu.memory_space<vmem>>) semaphore(%arg16 : memref<!tpu.dma_semaphore, #tpu.memory_space<semaphore_mem>>)
    %dma_start3A_29 = arith.constant 2 : i32
    %dma_start3A_30 = arith.constant 0 : i32
    %dma_start3A_31 = tpu.memref_slice %arg7[%dma_start3A_29, %dma_start3A_30] : memref<80x128xi32, #tpu.memory_space<vmem>> -> memref<1x128xi32, #tpu.memory_space<vmem>>
    %dma_start3A_32 = tpu.memref_squeeze %dma_start3A_31 : memref<1x128xi32, #tpu.memory_space<vmem>> -> memref<128xi32, #tpu.memory_space<vmem>>
    %dma_start3A_33 = arith.constant 0 : i32
    %dma_start3A_34 = arith.constant 0 : i32
    %dma_start3A_35 = tpu.memref_slice %arg4[%dma_start3A_33, %dma_start3A_34] : memref<10000x64xf32, #tpu.memory_space<hbm>> -> memref<10000x64xf32, #tpu.memory_space<hbm>>
    tpu.enqueue_indirect_dma source(%dma_start3A_35 : memref<10000x64xf32, #tpu.memory_space<hbm>>) target(%arg11 : memref<128x64xf32, #tpu.memory_space<vmem>>) offsets(%dma_start3A_32 : memref<128xi32, #tpu.memory_space<vmem>>) semaphore(%arg17 : memref<!tpu.dma_semaphore, #tpu.memory_space<semaphore_mem>>)
    %scan3A = arith.constant 0 : i32
    %scan3A_36 = arith.constant 0 : i32
    %scan3A_37 = arith.constant 20 : i32
    %scan3A_38 = arith.addi %scan3A_36, %scan3A_37 : i32
    %scan3A_39 = arith.constant 1 : i32
    scf.for %scan3A_79 = %scan3A_36 to %scan3A_38 step %scan3A_39  : i32 {
      %mul3A_80 = arith.constant 4 : i32
      %mul3A_81 = arith.muli %mul3A_80, %scan3A_79 : i32
      %add3A_82 = arith.constant 0 : i32
      %add3A_83 = arith.addi %mul3A_81, %add3A_82 : i32
      %dma_wait3A_84 = arith.constant 0 : i32
      %dma_wait3A_85 = tpu.memref_slice %arg7[%add3A_83, %dma_wait3A_84] : memref<80x128xi32, #tpu.memory_space<vmem>> -> memref<1x128xi32, #tpu.memory_space<vmem>>
      %dma_wait3A_86 = tpu.memref_squeeze %dma_wait3A_85 : memref<1x128xi32, #tpu.memory_space<vmem>> -> memref<128xi32, #tpu.memory_space<vmem>>
      %dma_wait3A_87 = arith.constant 0 : i32
      %dma_wait3A_88 = arith.constant 0 : i32
      %dma_wait3A_89 = tpu.memref_slice %arg4[%dma_wait3A_87, %dma_wait3A_88] : memref<10000x64xf32, #tpu.memory_space<hbm>> -> memref<10000x64xf32, #tpu.memory_space<hbm>>
      tpu.wait_indirect_dma semaphore(%arg15 : memref<!tpu.dma_semaphore, #tpu.memory_space<semaphore_mem>>) src(%dma_wait3A_89 : memref<10000x64xf32, #tpu.memory_space<hbm>>) dst(%arg9 : memref<128x64xf32, #tpu.memory_space<vmem>>)
      %dma_start3A_90 = arith.constant 0 : i32
      %dma_start3A_91 = tpu.memref_slice %arg8[%add3A_83, %dma_start3A_90] : memref<80x128xi32, #tpu.memory_space<vmem>> -> memref<1x128xi32, #tpu.memory_space<vmem>>
      %dma_start3A_92 = tpu.memref_squeeze %dma_start3A_91 : memref<1x128xi32, #tpu.memory_space<vmem>> -> memref<128xi32, #tpu.memory_space<vmem>>
      %dma_start3A_93 = arith.constant 0 : i32
      %dma_start3A_94 = arith.constant 0 : i32
      %dma_start3A_95 = tpu.memref_slice %arg14[%dma_start3A_93, %dma_start3A_94] : memref<10008x64xf32, #tpu.memory_space<vmem_shared>> -> memref<10008x64xf32, #tpu.memory_space<vmem_shared>>
      tpu.enqueue_indirect_dma source(%arg9 : memref<128x64xf32, #tpu.memory_space<vmem>>) target(%dma_start3A_95 : memref<10008x64xf32, #tpu.memory_space<vmem_shared>>) offsets(%dma_start3A_92 : memref<128xi32, #tpu.memory_space<vmem>>) semaphore(%arg19 : memref<!tpu.dma_semaphore, #tpu.memory_space<semaphore_mem>>) {add = true}
      %add3A_96 = arith.constant 3 : i32
      %add3A_97 = arith.addi %add3A_83, %add3A_96 : i32
      %lt3A = arith.constant 80 : i32
      %lt3A_98 = arith.cmpi slt, %add3A_97, %lt3A : i32
      %convert_element_type3A_99 = arith.extui %lt3A_98 : i1 to i32
      %cond3A_100 = arith.constant 0 : i32
      %cond3A_101 = arith.cmpi ne, %convert_element_type3A_99, %cond3A_100 : i32
      scf.if %cond3A_101 {
        %ge3A = arith.constant 1 : i32
        %ge3A_171 = arith.cmpi sge, %add3A_83, %ge3A : i32
        %convert_element_type3A_172 = arith.extui %ge3A_171 : i1 to i32
        %cond3A_173 = arith.constant 0 : i32
        %cond3A_174 = arith.cmpi ne, %convert_element_type3A_172, %cond3A_173 : i32
        scf.if %cond3A_174 {
          %sub3A = arith.constant 1 : i32
          %sub3A_183 = arith.subi %add3A_83, %sub3A : i32
          %dma_wait3A_184 = arith.constant 0 : i32
          %dma_wait3A_185 = tpu.memref_slice %arg8[%sub3A_183, %dma_wait3A_184] : memref<80x128xi32, #tpu.memory_space<vmem>> -> memref<1x128xi32, #tpu.memory_space<vmem>>
          %dma_wait3A_186 = tpu.memref_squeeze %dma_wait3A_185 : memref<1x128xi32, #tpu.memory_space<vmem>> -> memref<128xi32, #tpu.memory_space<vmem>>
          %dma_wait3A_187 = arith.constant 0 : i32
          %dma_wait3A_188 = arith.constant 0 : i32
          %dma_wait3A_189 = tpu.memref_slice %arg14[%dma_wait3A_187, %dma_wait3A_188] : memref<10008x64xf32, #tpu.memory_space<vmem_shared>> -> memref<10008x64xf32, #tpu.memory_space<vmem_shared>>
          tpu.wait_indirect_dma semaphore(%arg22 : memref<!tpu.dma_semaphore, #tpu.memory_space<semaphore_mem>>) src(%arg12 : memref<128x64xf32, #tpu.memory_space<vmem>>) dst(%dma_wait3A_189 : memref<10008x64xf32, #tpu.memory_space<vmem_shared>>)
        } else {
        }
        %add3A_175 = arith.constant 3 : i32
        %add3A_176 = arith.addi %add3A_83, %add3A_175 : i32
        %dma_start3A_177 = arith.constant 0 : i32
        %dma_start3A_178 = tpu.memref_slice %arg7[%add3A_176, %dma_start3A_177] : memref<80x128xi32, #tpu.memory_space<vmem>> -> memref<1x128xi32, #tpu.memory_space<vmem>>
        %dma_start3A_179 = tpu.memref_squeeze %dma_start3A_178 : memref<1x128xi32, #tpu.memory_space<vmem>> -> memref<128xi32, #tpu.memory_space<vmem>>
        %dma_start3A_180 = arith.constant 0 : i32
        %dma_start3A_181 = arith.constant 0 : i32
        %dma_start3A_182 = tpu.memref_slice %arg4[%dma_start3A_180, %dma_start3A_181] : memref<10000x64xf32, #tpu.memory_space<hbm>> -> memref<10000x64xf32, #tpu.memory_space<hbm>>
        tpu.enqueue_indirect_dma source(%dma_start3A_182 : memref<10000x64xf32, #tpu.memory_space<hbm>>) target(%arg12 : memref<128x64xf32, #tpu.memory_space<vmem>>) offsets(%dma_start3A_179 : memref<128xi32, #tpu.memory_space<vmem>>) semaphore(%arg18 : memref<!tpu.dma_semaphore, #tpu.memory_space<semaphore_mem>>)
      } else {
      }
      %mul3A_102 = arith.constant 4 : i32
      %mul3A_103 = arith.muli %mul3A_102, %scan3A_79 : i32
      %add3A_104 = arith.constant 1 : i32
      %add3A_105 = arith.addi %mul3A_103, %add3A_104 : i32
      %dma_wait3A_106 = arith.constant 0 : i32
      %dma_wait3A_107 = tpu.memref_slice %arg7[%add3A_105, %dma_wait3A_106] : memref<80x128xi32, #tpu.memory_space<vmem>> -> memref<1x128xi32, #tpu.memory_space<vmem>>
      %dma_wait3A_108 = tpu.memref_squeeze %dma_wait3A_107 : memref<1x128xi32, #tpu.memory_space<vmem>> -> memref<128xi32, #tpu.memory_space<vmem>>
      %dma_wait3A_109 = arith.constant 0 : i32
      %dma_wait3A_110 = arith.constant 0 : i32
      %dma_wait3A_111 = tpu.memref_slice %arg4[%dma_wait3A_109, %dma_wait3A_110] : memref<10000x64xf32, #tpu.memory_space<hbm>> -> memref<10000x64xf32, #tpu.memory_space<hbm>>
      tpu.wait_indirect_dma semaphore(%arg16 : memref<!tpu.dma_semaphore, #tpu.memory_space<semaphore_mem>>) src(%dma_wait3A_111 : memref<10000x64xf32, #tpu.memory_space<hbm>>) dst(%arg10 : memref<128x64xf32, #tpu.memory_space<vmem>>)
      %dma_start3A_112 = arith.constant 0 : i32
      %dma_start3A_113 = tpu.memref_slice %arg8[%add3A_105, %dma_start3A_112] : memref<80x128xi32, #tpu.memory_space<vmem>> -> memref<1x128xi32, #tpu.memory_space<vmem>>
      %dma_start3A_114 = tpu.memref_squeeze %dma_start3A_113 : memref<1x128xi32, #tpu.memory_space<vmem>> -> memref<128xi32, #tpu.memory_space<vmem>>
      %dma_start3A_115 = arith.constant 0 : i32
      %dma_start3A_116 = arith.constant 0 : i32
      %dma_start3A_117 = tpu.memref_slice %arg14[%dma_start3A_115, %dma_start3A_116] : memref<10008x64xf32, #tpu.memory_space<vmem_shared>> -> memref<10008x64xf32, #tpu.memory_space<vmem_shared>>
      tpu.enqueue_indirect_dma source(%arg10 : memref<128x64xf32, #tpu.memory_space<vmem>>) target(%dma_start3A_117 : memref<10008x64xf32, #tpu.memory_space<vmem_shared>>) offsets(%dma_start3A_114 : memref<128xi32, #tpu.memory_space<vmem>>) semaphore(%arg20 : memref<!tpu.dma_semaphore, #tpu.memory_space<semaphore_mem>>) {add = true}
      %add3A_118 = arith.constant 3 : i32
      %add3A_119 = arith.addi %add3A_105, %add3A_118 : i32
      %lt3A_120 = arith.constant 80 : i32
      %lt3A_121 = arith.cmpi slt, %add3A_119, %lt3A_120 : i32
      %convert_element_type3A_122 = arith.extui %lt3A_121 : i1 to i32
      %cond3A_123 = arith.constant 0 : i32
      %cond3A_124 = arith.cmpi ne, %convert_element_type3A_122, %cond3A_123 : i32
      scf.if %cond3A_124 {
        %ge3A = arith.constant 1 : i32
        %ge3A_171 = arith.cmpi sge, %add3A_105, %ge3A : i32
        %convert_element_type3A_172 = arith.extui %ge3A_171 : i1 to i32
        %cond3A_173 = arith.constant 0 : i32
        %cond3A_174 = arith.cmpi ne, %convert_element_type3A_172, %cond3A_173 : i32
        scf.if %cond3A_174 {
          %sub3A = arith.constant 1 : i32
          %sub3A_183 = arith.subi %add3A_105, %sub3A : i32
          %dma_wait3A_184 = arith.constant 0 : i32
          %dma_wait3A_185 = tpu.memref_slice %arg8[%sub3A_183, %dma_wait3A_184] : memref<80x128xi32, #tpu.memory_space<vmem>> -> memref<1x128xi32, #tpu.memory_space<vmem>>
          %dma_wait3A_186 = tpu.memref_squeeze %dma_wait3A_185 : memref<1x128xi32, #tpu.memory_space<vmem>> -> memref<128xi32, #tpu.memory_space<vmem>>
          %dma_wait3A_187 = arith.constant 0 : i32
          %dma_wait3A_188 = arith.constant 0 : i32
          %dma_wait3A_189 = tpu.memref_slice %arg14[%dma_wait3A_187, %dma_wait3A_188] : memref<10008x64xf32, #tpu.memory_space<vmem_shared>> -> memref<10008x64xf32, #tpu.memory_space<vmem_shared>>
          tpu.wait_indirect_dma semaphore(%arg19 : memref<!tpu.dma_semaphore, #tpu.memory_space<semaphore_mem>>) src(%arg9 : memref<128x64xf32, #tpu.memory_space<vmem>>) dst(%dma_wait3A_189 : memref<10008x64xf32, #tpu.memory_space<vmem_shared>>)
        } else {
        }
        %add3A_175 = arith.constant 3 : i32
        %add3A_176 = arith.addi %add3A_105, %add3A_175 : i32
        %dma_start3A_177 = arith.constant 0 : i32
        %dma_start3A_178 = tpu.memref_slice %arg7[%add3A_176, %dma_start3A_177] : memref<80x128xi32, #tpu.memory_space<vmem>> -> memref<1x128xi32, #tpu.memory_space<vmem>>
        %dma_start3A_179 = tpu.memref_squeeze %dma_start3A_178 : memref<1x128xi32, #tpu.memory_space<vmem>> -> memref<128xi32, #tpu.memory_space<vmem>>
        %dma_start3A_180 = arith.constant 0 : i32
        %dma_start3A_181 = arith.constant 0 : i32
        %dma_start3A_182 = tpu.memref_slice %arg4[%dma_start3A_180, %dma_start3A_181] : memref<10000x64xf32, #tpu.memory_space<hbm>> -> memref<10000x64xf32, #tpu.memory_space<hbm>>
        tpu.enqueue_indirect_dma source(%dma_start3A_182 : memref<10000x64xf32, #tpu.memory_space<hbm>>) target(%arg9 : memref<128x64xf32, #tpu.memory_space<vmem>>) offsets(%dma_start3A_179 : memref<128xi32, #tpu.memory_space<vmem>>) semaphore(%arg15 : memref<!tpu.dma_semaphore, #tpu.memory_space<semaphore_mem>>)
      } else {
      }
      %mul3A_125 = arith.constant 4 : i32
      %mul3A_126 = arith.muli %mul3A_125, %scan3A_79 : i32
      %add3A_127 = arith.constant 2 : i32
      %add3A_128 = arith.addi %mul3A_126, %add3A_127 : i32
      %dma_wait3A_129 = arith.constant 0 : i32
      %dma_wait3A_130 = tpu.memref_slice %arg7[%add3A_128, %dma_wait3A_129] : memref<80x128xi32, #tpu.memory_space<vmem>> -> memref<1x128xi32, #tpu.memory_space<vmem>>
      %dma_wait3A_131 = tpu.memref_squeeze %dma_wait3A_130 : memref<1x128xi32, #tpu.memory_space<vmem>> -> memref<128xi32, #tpu.memory_space<vmem>>
      %dma_wait3A_132 = arith.constant 0 : i32
      %dma_wait3A_133 = arith.constant 0 : i32
      %dma_wait3A_134 = tpu.memref_slice %arg4[%dma_wait3A_132, %dma_wait3A_133] : memref<10000x64xf32, #tpu.memory_space<hbm>> -> memref<10000x64xf32, #tpu.memory_space<hbm>>
      tpu.wait_indirect_dma semaphore(%arg17 : memref<!tpu.dma_semaphore, #tpu.memory_space<semaphore_mem>>) src(%dma_wait3A_134 : memref<10000x64xf32, #tpu.memory_space<hbm>>) dst(%arg11 : memref<128x64xf32, #tpu.memory_space<vmem>>)
      %dma_start3A_135 = arith.constant 0 : i32
      %dma_start3A_136 = tpu.memref_slice %arg8[%add3A_128, %dma_start3A_135] : memref<80x128xi32, #tpu.memory_space<vmem>> -> memref<1x128xi32, #tpu.memory_space<vmem>>
      %dma_start3A_137 = tpu.memref_squeeze %dma_start3A_136 : memref<1x128xi32, #tpu.memory_space<vmem>> -> memref<128xi32, #tpu.memory_space<vmem>>
      %dma_start3A_138 = arith.constant 0 : i32
      %dma_start3A_139 = arith.constant 0 : i32
      %dma_start3A_140 = tpu.memref_slice %arg14[%dma_start3A_138, %dma_start3A_139] : memref<10008x64xf32, #tpu.memory_space<vmem_shared>> -> memref<10008x64xf32, #tpu.memory_space<vmem_shared>>
      tpu.enqueue_indirect_dma source(%arg11 : memref<128x64xf32, #tpu.memory_space<vmem>>) target(%dma_start3A_140 : memref<10008x64xf32, #tpu.memory_space<vmem_shared>>) offsets(%dma_start3A_137 : memref<128xi32, #tpu.memory_space<vmem>>) semaphore(%arg21 : memref<!tpu.dma_semaphore, #tpu.memory_space<semaphore_mem>>) {add = true}
      %add3A_141 = arith.constant 3 : i32
      %add3A_142 = arith.addi %add3A_128, %add3A_141 : i32
      %lt3A_143 = arith.constant 80 : i32
      %lt3A_144 = arith.cmpi slt, %add3A_142, %lt3A_143 : i32
      %convert_element_type3A_145 = arith.extui %lt3A_144 : i1 to i32
      %cond3A_146 = arith.constant 0 : i32
      %cond3A_147 = arith.cmpi ne, %convert_element_type3A_145, %cond3A_146 : i32
      scf.if %cond3A_147 {
        %ge3A = arith.constant 1 : i32
        %ge3A_171 = arith.cmpi sge, %add3A_128, %ge3A : i32
        %convert_element_type3A_172 = arith.extui %ge3A_171 : i1 to i32
        %cond3A_173 = arith.constant 0 : i32
        %cond3A_174 = arith.cmpi ne, %convert_element_type3A_172, %cond3A_173 : i32
        scf.if %cond3A_174 {
          %sub3A = arith.constant 1 : i32
          %sub3A_183 = arith.subi %add3A_128, %sub3A : i32
          %dma_wait3A_184 = arith.constant 0 : i32
          %dma_wait3A_185 = tpu.memref_slice %arg8[%sub3A_183, %dma_wait3A_184] : memref<80x128xi32, #tpu.memory_space<vmem>> -> memref<1x128xi32, #tpu.memory_space<vmem>>
          %dma_wait3A_186 = tpu.memref_squeeze %dma_wait3A_185 : memref<1x128xi32, #tpu.memory_space<vmem>> -> memref<128xi32, #tpu.memory_space<vmem>>
          %dma_wait3A_187 = arith.constant 0 : i32
          %dma_wait3A_188 = arith.constant 0 : i32
          %dma_wait3A_189 = tpu.memref_slice %arg14[%dma_wait3A_187, %dma_wait3A_188] : memref<10008x64xf32, #tpu.memory_space<vmem_shared>> -> memref<10008x64xf32, #tpu.memory_space<vmem_shared>>
          tpu.wait_indirect_dma semaphore(%arg20 : memref<!tpu.dma_semaphore, #tpu.memory_space<semaphore_mem>>) src(%arg10 : memref<128x64xf32, #tpu.memory_space<vmem>>) dst(%dma_wait3A_189 : memref<10008x64xf32, #tpu.memory_space<vmem_shared>>)
        } else {
        }
        %add3A_175 = arith.constant 3 : i32
        %add3A_176 = arith.addi %add3A_128, %add3A_175 : i32
        %dma_start3A_177 = arith.constant 0 : i32
        %dma_start3A_178 = tpu.memref_slice %arg7[%add3A_176, %dma_start3A_177] : memref<80x128xi32, #tpu.memory_space<vmem>> -> memref<1x128xi32, #tpu.memory_space<vmem>>
        %dma_start3A_179 = tpu.memref_squeeze %dma_start3A_178 : memref<1x128xi32, #tpu.memory_space<vmem>> -> memref<128xi32, #tpu.memory_space<vmem>>
        %dma_start3A_180 = arith.constant 0 : i32
        %dma_start3A_181 = arith.constant 0 : i32
        %dma_start3A_182 = tpu.memref_slice %arg4[%dma_start3A_180, %dma_start3A_181] : memref<10000x64xf32, #tpu.memory_space<hbm>> -> memref<10000x64xf32, #tpu.memory_space<hbm>>
        tpu.enqueue_indirect_dma source(%dma_start3A_182 : memref<10000x64xf32, #tpu.memory_space<hbm>>) target(%arg10 : memref<128x64xf32, #tpu.memory_space<vmem>>) offsets(%dma_start3A_179 : memref<128xi32, #tpu.memory_space<vmem>>) semaphore(%arg16 : memref<!tpu.dma_semaphore, #tpu.memory_space<semaphore_mem>>)
      } else {
      }
      %mul3A_148 = arith.constant 4 : i32
      %mul3A_149 = arith.muli %mul3A_148, %scan3A_79 : i32
      %add3A_150 = arith.constant 3 : i32
      %add3A_151 = arith.addi %mul3A_149, %add3A_150 : i32
      %dma_wait3A_152 = arith.constant 0 : i32
      %dma_wait3A_153 = tpu.memref_slice %arg7[%add3A_151, %dma_wait3A_152] : memref<80x128xi32, #tpu.memory_space<vmem>> -> memref<1x128xi32, #tpu.memory_space<vmem>>
      %dma_wait3A_154 = tpu.memref_squeeze %dma_wait3A_153 : memref<1x128xi32, #tpu.memory_space<vmem>> -> memref<128xi32, #tpu.memory_space<vmem>>
      %dma_wait3A_155 = arith.constant 0 : i32
      %dma_wait3A_156 = arith.constant 0 : i32
      %dma_wait3A_157 = tpu.memref_slice %arg4[%dma_wait3A_155, %dma_wait3A_156] : memref<10000x64xf32, #tpu.memory_space<hbm>> -> memref<10000x64xf32, #tpu.memory_space<hbm>>
      tpu.wait_indirect_dma semaphore(%arg18 : memref<!tpu.dma_semaphore, #tpu.memory_space<semaphore_mem>>) src(%dma_wait3A_157 : memref<10000x64xf32, #tpu.memory_space<hbm>>) dst(%arg12 : memref<128x64xf32, #tpu.memory_space<vmem>>)
      %dma_start3A_158 = arith.constant 0 : i32
      %dma_start3A_159 = tpu.memref_slice %arg8[%add3A_151, %dma_start3A_158] : memref<80x128xi32, #tpu.memory_space<vmem>> -> memref<1x128xi32, #tpu.memory_space<vmem>>
      %dma_start3A_160 = tpu.memref_squeeze %dma_start3A_159 : memref<1x128xi32, #tpu.memory_space<vmem>> -> memref<128xi32, #tpu.memory_space<vmem>>
      %dma_start3A_161 = arith.constant 0 : i32
      %dma_start3A_162 = arith.constant 0 : i32
      %dma_start3A_163 = tpu.memref_slice %arg14[%dma_start3A_161, %dma_start3A_162] : memref<10008x64xf32, #tpu.memory_space<vmem_shared>> -> memref<10008x64xf32, #tpu.memory_space<vmem_shared>>
      tpu.enqueue_indirect_dma source(%arg12 : memref<128x64xf32, #tpu.memory_space<vmem>>) target(%dma_start3A_163 : memref<10008x64xf32, #tpu.memory_space<vmem_shared>>) offsets(%dma_start3A_160 : memref<128xi32, #tpu.memory_space<vmem>>) semaphore(%arg22 : memref<!tpu.dma_semaphore, #tpu.memory_space<semaphore_mem>>) {add = true}
      %add3A_164 = arith.constant 3 : i32
      %add3A_165 = arith.addi %add3A_151, %add3A_164 : i32
      %lt3A_166 = arith.constant 80 : i32
      %lt3A_167 = arith.cmpi slt, %add3A_165, %lt3A_166 : i32
      %convert_element_type3A_168 = arith.extui %lt3A_167 : i1 to i32
      %cond3A_169 = arith.constant 0 : i32
      %cond3A_170 = arith.cmpi ne, %convert_element_type3A_168, %cond3A_169 : i32
      scf.if %cond3A_170 {
        %ge3A = arith.constant 1 : i32
        %ge3A_171 = arith.cmpi sge, %add3A_151, %ge3A : i32
        %convert_element_type3A_172 = arith.extui %ge3A_171 : i1 to i32
        %cond3A_173 = arith.constant 0 : i32
        %cond3A_174 = arith.cmpi ne, %convert_element_type3A_172, %cond3A_173 : i32
        scf.if %cond3A_174 {
          %sub3A = arith.constant 1 : i32
          %sub3A_183 = arith.subi %add3A_151, %sub3A : i32
          %dma_wait3A_184 = arith.constant 0 : i32
          %dma_wait3A_185 = tpu.memref_slice %arg8[%sub3A_183, %dma_wait3A_184] : memref<80x128xi32, #tpu.memory_space<vmem>> -> memref<1x128xi32, #tpu.memory_space<vmem>>
          %dma_wait3A_186 = tpu.memref_squeeze %dma_wait3A_185 : memref<1x128xi32, #tpu.memory_space<vmem>> -> memref<128xi32, #tpu.memory_space<vmem>>
          %dma_wait3A_187 = arith.constant 0 : i32
          %dma_wait3A_188 = arith.constant 0 : i32
          %dma_wait3A_189 = tpu.memref_slice %arg14[%dma_wait3A_187, %dma_wait3A_188] : memref<10008x64xf32, #tpu.memory_space<vmem_shared>> -> memref<10008x64xf32, #tpu.memory_space<vmem_shared>>
          tpu.wait_indirect_dma semaphore(%arg21 : memref<!tpu.dma_semaphore, #tpu.memory_space<semaphore_mem>>) src(%arg11 : memref<128x64xf32, #tpu.memory_space<vmem>>) dst(%dma_wait3A_189 : memref<10008x64xf32, #tpu.memory_space<vmem_shared>>)
        } else {
        }
        %add3A_175 = arith.constant 3 : i32
        %add3A_176 = arith.addi %add3A_151, %add3A_175 : i32
        %dma_start3A_177 = arith.constant 0 : i32
        %dma_start3A_178 = tpu.memref_slice %arg7[%add3A_176, %dma_start3A_177] : memref<80x128xi32, #tpu.memory_space<vmem>> -> memref<1x128xi32, #tpu.memory_space<vmem>>
        %dma_start3A_179 = tpu.memref_squeeze %dma_start3A_178 : memref<1x128xi32, #tpu.memory_space<vmem>> -> memref<128xi32, #tpu.memory_space<vmem>>
        %dma_start3A_180 = arith.constant 0 : i32
        %dma_start3A_181 = arith.constant 0 : i32
        %dma_start3A_182 = tpu.memref_slice %arg4[%dma_start3A_180, %dma_start3A_181] : memref<10000x64xf32, #tpu.memory_space<hbm>> -> memref<10000x64xf32, #tpu.memory_space<hbm>>
        tpu.enqueue_indirect_dma source(%dma_start3A_182 : memref<10000x64xf32, #tpu.memory_space<hbm>>) target(%arg11 : memref<128x64xf32, #tpu.memory_space<vmem>>) offsets(%dma_start3A_179 : memref<128xi32, #tpu.memory_space<vmem>>) semaphore(%arg17 : memref<!tpu.dma_semaphore, #tpu.memory_space<semaphore_mem>>)
      } else {
      }
    }
    %scan3A_40 = arith.constant 20 : i32
    %dma_wait3A = arith.constant 76 : i32
    %dma_wait3A_41 = arith.constant 0 : i32
    %dma_wait3A_42 = tpu.memref_slice %arg8[%dma_wait3A, %dma_wait3A_41] : memref<80x128xi32, #tpu.memory_space<vmem>> -> memref<1x128xi32, #tpu.memory_space<vmem>>
    %dma_wait3A_43 = tpu.memref_squeeze %dma_wait3A_42 : memref<1x128xi32, #tpu.memory_space<vmem>> -> memref<128xi32, #tpu.memory_space<vmem>>
    %dma_wait3A_44 = arith.constant 0 : i32
    %dma_wait3A_45 = arith.constant 0 : i32
    %dma_wait3A_46 = tpu.memref_slice %arg14[%dma_wait3A_44, %dma_wait3A_45] : memref<10008x64xf32, #tpu.memory_space<vmem_shared>> -> memref<10008x64xf32, #tpu.memory_space<vmem_shared>>
    tpu.wait_indirect_dma semaphore(%arg19 : memref<!tpu.dma_semaphore, #tpu.memory_space<semaphore_mem>>) src(%arg9 : memref<128x64xf32, #tpu.memory_space<vmem>>) dst(%dma_wait3A_46 : memref<10008x64xf32, #tpu.memory_space<vmem_shared>>)
    %dma_wait3A_47 = arith.constant 77 : i32
    %dma_wait3A_48 = arith.constant 0 : i32
    %dma_wait3A_49 = tpu.memref_slice %arg8[%dma_wait3A_47, %dma_wait3A_48] : memref<80x128xi32, #tpu.memory_space<vmem>> -> memref<1x128xi32, #tpu.memory_space<vmem>>
    %dma_wait3A_50 = tpu.memref_squeeze %dma_wait3A_49 : memref<1x128xi32, #tpu.memory_space<vmem>> -> memref<128xi32, #tpu.memory_space<vmem>>
    %dma_wait3A_51 = arith.constant 0 : i32
    %dma_wait3A_52 = arith.constant 0 : i32
    %dma_wait3A_53 = tpu.memref_slice %arg14[%dma_wait3A_51, %dma_wait3A_52] : memref<10008x64xf32, #tpu.memory_space<vmem_shared>> -> memref<10008x64xf32, #tpu.memory_space<vmem_shared>>
    tpu.wait_indirect_dma semaphore(%arg20 : memref<!tpu.dma_semaphore, #tpu.memory_space<semaphore_mem>>) src(%arg10 : memref<128x64xf32, #tpu.memory_space<vmem>>) dst(%dma_wait3A_53 : memref<10008x64xf32, #tpu.memory_space<vmem_shared>>)
    %dma_wait3A_54 = arith.constant 78 : i32
    %dma_wait3A_55 = arith.constant 0 : i32
    %dma_wait3A_56 = tpu.memref_slice %arg8[%dma_wait3A_54, %dma_wait3A_55] : memref<80x128xi32, #tpu.memory_space<vmem>> -> memref<1x128xi32, #tpu.memory_space<vmem>>
    %dma_wait3A_57 = tpu.memref_squeeze %dma_wait3A_56 : memref<1x128xi32, #tpu.memory_space<vmem>> -> memref<128xi32, #tpu.memory_space<vmem>>
    %dma_wait3A_58 = arith.constant 0 : i32
    %dma_wait3A_59 = arith.constant 0 : i32
    %dma_wait3A_60 = tpu.memref_slice %arg14[%dma_wait3A_58, %dma_wait3A_59] : memref<10008x64xf32, #tpu.memory_space<vmem_shared>> -> memref<10008x64xf32, #tpu.memory_space<vmem_shared>>
    tpu.wait_indirect_dma semaphore(%arg21 : memref<!tpu.dma_semaphore, #tpu.memory_space<semaphore_mem>>) src(%arg11 : memref<128x64xf32, #tpu.memory_space<vmem>>) dst(%dma_wait3A_60 : memref<10008x64xf32, #tpu.memory_space<vmem_shared>>)
    %dma_wait3A_61 = arith.constant 79 : i32
    %dma_wait3A_62 = arith.constant 0 : i32
    %dma_wait3A_63 = tpu.memref_slice %arg8[%dma_wait3A_61, %dma_wait3A_62] : memref<80x128xi32, #tpu.memory_space<vmem>> -> memref<1x128xi32, #tpu.memory_space<vmem>>
    %dma_wait3A_64 = tpu.memref_squeeze %dma_wait3A_63 : memref<1x128xi32, #tpu.memory_space<vmem>> -> memref<128xi32, #tpu.memory_space<vmem>>
    %dma_wait3A_65 = arith.constant 0 : i32
    %dma_wait3A_66 = arith.constant 0 : i32
    %dma_wait3A_67 = tpu.memref_slice %arg14[%dma_wait3A_65, %dma_wait3A_66] : memref<10008x64xf32, #tpu.memory_space<vmem_shared>> -> memref<10008x64xf32, #tpu.memory_space<vmem_shared>>
    tpu.wait_indirect_dma semaphore(%arg22 : memref<!tpu.dma_semaphore, #tpu.memory_space<semaphore_mem>>) src(%arg12 : memref<128x64xf32, #tpu.memory_space<vmem>>) dst(%dma_wait3A_67 : memref<10008x64xf32, #tpu.memory_space<vmem_shared>>)
    %barrier3A_68 = arith.constant 0 : index
    tpu.barrier barrier_id(%barrier3A_68)
    %ne3A_69 = arith.constant 15 : i32
    %ne3A_70 = arith.cmpi ne, %arg1, %ne3A_69 : i32
    %convert_element_type3A_71 = arith.extui %ne3A_70 : i1 to i32
    %cond3A_72 = arith.constant 0 : i32
    %cond3A_73 = arith.cmpi ne, %convert_element_type3A_71, %cond3A_72 : i32
    scf.if %cond3A_73 {
      %mul3A_79 = arith.constant 632 : i32
      %mul3A_80 = arith.muli %arg1, %mul3A_79 : i32
      %add3A_81 = arith.constant 0 : i32
      %add3A_82 = arith.addi %mul3A_80, %add3A_81 : i32
      "tpu.region"() ({
        %run_scoped3A = tpu.sem_alloc : memref<!tpu.dma_semaphore, #tpu.memory_space<semaphore_mem>>
        %dma_start3A_93 = arith.constant 0 : i32
        %dma_start3A_94 = arith.constant 0 : i32
        %dma_start3A_95 = tpu.memref_slice %arg13[%dma_start3A_93, %dma_start3A_94] : memref<320x64xf32, #tpu.memory_space<vmem>> -> memref<320x64xf32, #tpu.memory_space<vmem>>
        %dma_start3A_96 = arith.constant 0 : i32
        %dma_start3A_97 = tpu.memref_slice %arg14[%add3A_82, %dma_start3A_96] : memref<10008x64xf32, #tpu.memory_space<vmem_shared>> -> memref<320x64xf32, #tpu.memory_space<vmem_shared>>
        %dma_start3A_98 = arith.constant 0 : i32
        %dma_start3A_99 = arith.constant 0 : i32
        %dma_start3A_100 = tpu.memref_slice %arg13[%dma_start3A_98, %dma_start3A_99] : memref<320x64xf32, #tpu.memory_space<vmem>> -> memref<320x64xf32, #tpu.memory_space<vmem>>
        %dma_start3A_101 = arith.constant 0 : i32
        %dma_start3A_102 = tpu.memref_slice %arg14[%add3A_82, %dma_start3A_101] : memref<10008x64xf32, #tpu.memory_space<vmem_shared>> -> memref<320x64xf32, #tpu.memory_space<vmem_shared>>
        tpu.enqueue_dma source(%dma_start3A_102 : memref<320x64xf32, #tpu.memory_space<vmem_shared>>) target(%dma_start3A_100 : memref<320x64xf32, #tpu.memory_space<vmem>>) target_semaphore(%run_scoped3A : memref<!tpu.dma_semaphore, #tpu.memory_space<semaphore_mem>>)
        %dma_wait3A_103 = arith.constant 0 : i32
        %dma_wait3A_104 = arith.constant 0 : i32
        %dma_wait3A_105 = tpu.memref_slice %arg13[%dma_wait3A_103, %dma_wait3A_104] : memref<320x64xf32, #tpu.memory_space<vmem>> -> memref<320x64xf32, #tpu.memory_space<vmem>>
        %dma_wait3A_106 = arith.constant 0 : i32
        %dma_wait3A_107 = tpu.memref_slice %arg14[%add3A_82, %dma_wait3A_106] : memref<10008x64xf32, #tpu.memory_space<vmem_shared>> -> memref<320x64xf32, #tpu.memory_space<vmem_shared>>
        %dma_wait3A_108 = arith.constant 0 : i32
        %dma_wait3A_109 = arith.constant 0 : i32
        %dma_wait3A_110 = tpu.memref_slice %arg13[%dma_wait3A_108, %dma_wait3A_109] : memref<320x64xf32, #tpu.memory_space<vmem>> -> memref<320x64xf32, #tpu.memory_space<vmem>>
        %dma_wait3A_111 = arith.constant 0 : i32
        %dma_wait3A_112 = tpu.memref_slice %arg14[%add3A_82, %dma_wait3A_111] : memref<10008x64xf32, #tpu.memory_space<vmem_shared>> -> memref<320x64xf32, #tpu.memory_space<vmem_shared>>
        tpu.wait_dma2 semaphore(%run_scoped3A : memref<!tpu.dma_semaphore, #tpu.memory_space<semaphore_mem>>) src(%dma_wait3A_112 : memref<320x64xf32, #tpu.memory_space<vmem_shared>>) dst(%dma_wait3A_110 : memref<320x64xf32, #tpu.memory_space<vmem>>)
        tpu.yield
      }) : () -> ()
      %mul3A_83 = arith.constant 10000 : i32
      %mul3A_84 = arith.muli %arg0, %mul3A_83 : i32
      %add3A_85 = arith.addi %mul3A_84, %add3A_82 : i32
      "tpu.region"() ({
        %run_scoped3A = tpu.sem_alloc : memref<!tpu.dma_semaphore, #tpu.memory_space<semaphore_mem>>
        %dma_start3A_93 = arith.constant 0 : i32
        %dma_start3A_94 = arith.constant 0 : i32
        %dma_start3A_95 = tpu.memref_slice %arg13[%dma_start3A_93, %dma_start3A_94] : memref<320x64xf32, #tpu.memory_space<vmem>> -> memref<320x64xf32, #tpu.memory_space<vmem>>
        %dma_start3A_96 = arith.constant 0 : i32
        %dma_start3A_97 = tpu.memref_slice %arg6[%add3A_85, %dma_start3A_96] : memref<20000x64xf32, #tpu.memory_space<hbm>> -> memref<320x64xf32, #tpu.memory_space<hbm>>
        %dma_start3A_98 = arith.constant 0 : i32
        %dma_start3A_99 = tpu.memref_slice %arg6[%add3A_85, %dma_start3A_98] : memref<20000x64xf32, #tpu.memory_space<hbm>> -> memref<320x64xf32, #tpu.memory_space<hbm>>
        %dma_start3A_100 = arith.constant 0 : i32
        %dma_start3A_101 = arith.constant 0 : i32
        %dma_start3A_102 = tpu.memref_slice %arg13[%dma_start3A_100, %dma_start3A_101] : memref<320x64xf32, #tpu.memory_space<vmem>> -> memref<320x64xf32, #tpu.memory_space<vmem>>
        tpu.enqueue_dma source(%dma_start3A_102 : memref<320x64xf32, #tpu.memory_space<vmem>>) target(%dma_start3A_99 : memref<320x64xf32, #tpu.memory_space<hbm>>) target_semaphore(%run_scoped3A : memref<!tpu.dma_semaphore, #tpu.memory_space<semaphore_mem>>)
        %dma_wait3A_103 = arith.constant 0 : i32
        %dma_wait3A_104 = arith.constant 0 : i32
        %dma_wait3A_105 = tpu.memref_slice %arg13[%dma_wait3A_103, %dma_wait3A_104] : memref<320x64xf32, #tpu.memory_space<vmem>> -> memref<320x64xf32, #tpu.memory_space<vmem>>
        %dma_wait3A_106 = arith.constant 0 : i32
        %dma_wait3A_107 = tpu.memref_slice %arg6[%add3A_85, %dma_wait3A_106] : memref<20000x64xf32, #tpu.memory_space<hbm>> -> memref<320x64xf32, #tpu.memory_space<hbm>>
        %dma_wait3A_108 = arith.constant 0 : i32
        %dma_wait3A_109 = tpu.memref_slice %arg6[%add3A_85, %dma_wait3A_108] : memref<20000x64xf32, #tpu.memory_space<hbm>> -> memref<320x64xf32, #tpu.memory_space<hbm>>
        %dma_wait3A_110 = arith.constant 0 : i32
        %dma_wait3A_111 = arith.constant 0 : i32
        %dma_wait3A_112 = tpu.memref_slice %arg13[%dma_wait3A_110, %dma_wait3A_111] : memref<320x64xf32, #tpu.memory_space<vmem>> -> memref<320x64xf32, #tpu.memory_space<vmem>>
        tpu.wait_dma2 semaphore(%run_scoped3A : memref<!tpu.dma_semaphore, #tpu.memory_space<semaphore_mem>>) src(%dma_wait3A_112 : memref<320x64xf32, #tpu.memory_space<vmem>>) dst(%dma_wait3A_109 : memref<320x64xf32, #tpu.memory_space<hbm>>)
        tpu.yield
      }) : () -> ()
      %mul3A_86 = arith.constant 632 : i32
      %mul3A_87 = arith.muli %arg1, %mul3A_86 : i32
      %add3A_88 = arith.constant 320 : i32
      %add3A_89 = arith.addi %mul3A_87, %add3A_88 : i32
      "tpu.region"() ({
        %run_scoped3A = tpu.sem_alloc : memref<!tpu.dma_semaphore, #tpu.memory_space<semaphore_mem>>
        %dma_start3A_93 = arith.constant 0 : i32
        %dma_start3A_94 = arith.constant 0 : i32
        %dma_start3A_95 = tpu.memref_slice %arg13[%dma_start3A_93, %dma_start3A_94] : memref<320x64xf32, #tpu.memory_space<vmem>> -> memref<312x64xf32, #tpu.memory_space<vmem>>
        %dma_start3A_96 = arith.constant 0 : i32
        %dma_start3A_97 = tpu.memref_slice %arg14[%add3A_89, %dma_start3A_96] : memref<10008x64xf32, #tpu.memory_space<vmem_shared>> -> memref<312x64xf32, #tpu.memory_space<vmem_shared>>
        %dma_start3A_98 = arith.constant 0 : i32
        %dma_start3A_99 = arith.constant 0 : i32
        %dma_start3A_100 = tpu.memref_slice %arg13[%dma_start3A_98, %dma_start3A_99] : memref<320x64xf32, #tpu.memory_space<vmem>> -> memref<312x64xf32, #tpu.memory_space<vmem>>
        %dma_start3A_101 = arith.constant 0 : i32
        %dma_start3A_102 = tpu.memref_slice %arg14[%add3A_89, %dma_start3A_101] : memref<10008x64xf32, #tpu.memory_space<vmem_shared>> -> memref<312x64xf32, #tpu.memory_space<vmem_shared>>
        tpu.enqueue_dma source(%dma_start3A_102 : memref<312x64xf32, #tpu.memory_space<vmem_shared>>) target(%dma_start3A_100 : memref<312x64xf32, #tpu.memory_space<vmem>>) target_semaphore(%run_scoped3A : memref<!tpu.dma_semaphore, #tpu.memory_space<semaphore_mem>>)
        %dma_wait3A_103 = arith.constant 0 : i32
        %dma_wait3A_104 = arith.constant 0 : i32
        %dma_wait3A_105 = tpu.memref_slice %arg13[%dma_wait3A_103, %dma_wait3A_104] : memref<320x64xf32, #tpu.memory_space<vmem>> -> memref<312x64xf32, #tpu.memory_space<vmem>>
        %dma_wait3A_106 = arith.constant 0 : i32
        %dma_wait3A_107 = tpu.memref_slice %arg14[%add3A_89, %dma_wait3A_106] : memref<10008x64xf32, #tpu.memory_space<vmem_shared>> -> memref<312x64xf32, #tpu.memory_space<vmem_shared>>
        %dma_wait3A_108 = arith.constant 0 : i32
        %dma_wait3A_109 = arith.constant 0 : i32
        %dma_wait3A_110 = tpu.memref_slice %arg13[%dma_wait3A_108, %dma_wait3A_109] : memref<320x64xf32, #tpu.memory_space<vmem>> -> memref<312x64xf32, #tpu.memory_space<vmem>>
        %dma_wait3A_111 = arith.constant 0 : i32
        %dma_wait3A_112 = tpu.memref_slice %arg14[%add3A_89, %dma_wait3A_111] : memref<10008x64xf32, #tpu.memory_space<vmem_shared>> -> memref<312x64xf32, #tpu.memory_space<vmem_shared>>
        tpu.wait_dma2 semaphore(%run_scoped3A : memref<!tpu.dma_semaphore, #tpu.memory_space<semaphore_mem>>) src(%dma_wait3A_112 : memref<312x64xf32, #tpu.memory_space<vmem_shared>>) dst(%dma_wait3A_110 : memref<312x64xf32, #tpu.memory_space<vmem>>)
        tpu.yield
      }) : () -> ()
      %mul3A_90 = arith.constant 10000 : i32
      %mul3A_91 = arith.muli %arg0, %mul3A_90 : i32
      %add3A_92 = arith.addi %mul3A_91, %add3A_89 : i32
      "tpu.region"() ({
        %run_scoped3A = tpu.sem_alloc : memref<!tpu.dma_semaphore, #tpu.memory_space<semaphore_mem>>
        %dma_start3A_93 = arith.constant 0 : i32
        %dma_start3A_94 = arith.constant 0 : i32
        %dma_start3A_95 = tpu.memref_slice %arg13[%dma_start3A_93, %dma_start3A_94] : memref<320x64xf32, #tpu.memory_space<vmem>> -> memref<312x64xf32, #tpu.memory_space<vmem>>
        %dma_start3A_96 = arith.constant 0 : i32
        %dma_start3A_97 = tpu.memref_slice %arg6[%add3A_92, %dma_start3A_96] : memref<20000x64xf32, #tpu.memory_space<hbm>> -> memref<312x64xf32, #tpu.memory_space<hbm>>
        %dma_start3A_98 = arith.constant 0 : i32
        %dma_start3A_99 = tpu.memref_slice %arg6[%add3A_92, %dma_start3A_98] : memref<20000x64xf32, #tpu.memory_space<hbm>> -> memref<312x64xf32, #tpu.memory_space<hbm>>
        %dma_start3A_100 = arith.constant 0 : i32
        %dma_start3A_101 = arith.constant 0 : i32
        %dma_start3A_102 = tpu.memref_slice %arg13[%dma_start3A_100, %dma_start3A_101] : memref<320x64xf32, #tpu.memory_space<vmem>> -> memref<312x64xf32, #tpu.memory_space<vmem>>
        tpu.enqueue_dma source(%dma_start3A_102 : memref<312x64xf32, #tpu.memory_space<vmem>>) target(%dma_start3A_99 : memref<312x64xf32, #tpu.memory_space<hbm>>) target_semaphore(%run_scoped3A : memref<!tpu.dma_semaphore, #tpu.memory_space<semaphore_mem>>)
        %dma_wait3A_103 = arith.constant 0 : i32
        %dma_wait3A_104 = arith.constant 0 : i32
        %dma_wait3A_105 = tpu.memref_slice %arg13[%dma_wait3A_103, %dma_wait3A_104] : memref<320x64xf32, #tpu.memory_space<vmem>> -> memref<312x64xf32, #tpu.memory_space<vmem>>
        %dma_wait3A_106 = arith.constant 0 : i32
        %dma_wait3A_107 = tpu.memref_slice %arg6[%add3A_92, %dma_wait3A_106] : memref<20000x64xf32, #tpu.memory_space<hbm>> -> memref<312x64xf32, #tpu.memory_space<hbm>>
        %dma_wait3A_108 = arith.constant 0 : i32
        %dma_wait3A_109 = tpu.memref_slice %arg6[%add3A_92, %dma_wait3A_108] : memref<20000x64xf32, #tpu.memory_space<hbm>> -> memref<312x64xf32, #tpu.memory_space<hbm>>
        %dma_wait3A_110 = arith.constant 0 : i32
        %dma_wait3A_111 = arith.constant 0 : i32
        %dma_wait3A_112 = tpu.memref_slice %arg13[%dma_wait3A_110, %dma_wait3A_111] : memref<320x64xf32, #tpu.memory_space<vmem>> -> memref<312x64xf32, #tpu.memory_space<vmem>>
        tpu.wait_dma2 semaphore(%run_scoped3A : memref<!tpu.dma_semaphore, #tpu.memory_space<semaphore_mem>>) src(%dma_wait3A_112 : memref<312x64xf32, #tpu.memory_space<vmem>>) dst(%dma_wait3A_109 : memref<312x64xf32, #tpu.memory_space<hbm>>)
        tpu.yield
      }) : () -> ()
    } else {
    }
    %eq3A_74 = arith.constant 15 : i32
    %eq3A_75 = arith.cmpi eq, %arg1, %eq3A_74 : i32
    %convert_element_type3A_76 = arith.extui %eq3A_75 : i1 to i32
    %cond3A_77 = arith.constant 0 : i32
    %cond3A_78 = arith.cmpi ne, %convert_element_type3A_76, %cond3A_77 : i32
    scf.if %cond3A_78 {
      "tpu.region"() ({
        %run_scoped3A = tpu.sem_alloc : memref<!tpu.dma_semaphore, #tpu.memory_space<semaphore_mem>>
        %dma_start3A_87 = arith.constant 0 : i32
        %dma_start3A_88 = arith.constant 0 : i32
        %dma_start3A_89 = tpu.memref_slice %arg13[%dma_start3A_87, %dma_start3A_88] : memref<320x64xf32, #tpu.memory_space<vmem>> -> memref<320x64xf32, #tpu.memory_space<vmem>>
        %dma_start3A_90 = arith.constant 9480 : i32
        %dma_start3A_91 = arith.constant 0 : i32
        %dma_start3A_92 = tpu.memref_slice %arg14[%dma_start3A_90, %dma_start3A_91] : memref<10008x64xf32, #tpu.memory_space<vmem_shared>> -> memref<320x64xf32, #tpu.memory_space<vmem_shared>>
        %dma_start3A_93 = arith.constant 0 : i32
        %dma_start3A_94 = arith.constant 0 : i32
        %dma_start3A_95 = tpu.memref_slice %arg13[%dma_start3A_93, %dma_start3A_94] : memref<320x64xf32, #tpu.memory_space<vmem>> -> memref<320x64xf32, #tpu.memory_space<vmem>>
        %dma_start3A_96 = arith.constant 9480 : i32
        %dma_start3A_97 = arith.constant 0 : i32
        %dma_start3A_98 = tpu.memref_slice %arg14[%dma_start3A_96, %dma_start3A_97] : memref<10008x64xf32, #tpu.memory_space<vmem_shared>> -> memref<320x64xf32, #tpu.memory_space<vmem_shared>>
        tpu.enqueue_dma source(%dma_start3A_98 : memref<320x64xf32, #tpu.memory_space<vmem_shared>>) target(%dma_start3A_95 : memref<320x64xf32, #tpu.memory_space<vmem>>) target_semaphore(%run_scoped3A : memref<!tpu.dma_semaphore, #tpu.memory_space<semaphore_mem>>)
        %dma_wait3A_99 = arith.constant 0 : i32
        %dma_wait3A_100 = arith.constant 0 : i32
        %dma_wait3A_101 = tpu.memref_slice %arg13[%dma_wait3A_99, %dma_wait3A_100] : memref<320x64xf32, #tpu.memory_space<vmem>> -> memref<320x64xf32, #tpu.memory_space<vmem>>
        %dma_wait3A_102 = arith.constant 9480 : i32
        %dma_wait3A_103 = arith.constant 0 : i32
        %dma_wait3A_104 = tpu.memref_slice %arg14[%dma_wait3A_102, %dma_wait3A_103] : memref<10008x64xf32, #tpu.memory_space<vmem_shared>> -> memref<320x64xf32, #tpu.memory_space<vmem_shared>>
        %dma_wait3A_105 = arith.constant 0 : i32
        %dma_wait3A_106 = arith.constant 0 : i32
        %dma_wait3A_107 = tpu.memref_slice %arg13[%dma_wait3A_105, %dma_wait3A_106] : memref<320x64xf32, #tpu.memory_space<vmem>> -> memref<320x64xf32, #tpu.memory_space<vmem>>
        %dma_wait3A_108 = arith.constant 9480 : i32
        %dma_wait3A_109 = arith.constant 0 : i32
        %dma_wait3A_110 = tpu.memref_slice %arg14[%dma_wait3A_108, %dma_wait3A_109] : memref<10008x64xf32, #tpu.memory_space<vmem_shared>> -> memref<320x64xf32, #tpu.memory_space<vmem_shared>>
        tpu.wait_dma2 semaphore(%run_scoped3A : memref<!tpu.dma_semaphore, #tpu.memory_space<semaphore_mem>>) src(%dma_wait3A_110 : memref<320x64xf32, #tpu.memory_space<vmem_shared>>) dst(%dma_wait3A_107 : memref<320x64xf32, #tpu.memory_space<vmem>>)
        tpu.yield
      }) : () -> ()
      %mul3A_79 = arith.constant 10000 : i32
      %mul3A_80 = arith.muli %arg0, %mul3A_79 : i32
      %add3A_81 = arith.constant 9480 : i32
      %add3A_82 = arith.addi %mul3A_80, %add3A_81 : i32
      "tpu.region"() ({
        %run_scoped3A = tpu.sem_alloc : memref<!tpu.dma_semaphore, #tpu.memory_space<semaphore_mem>>
        %dma_start3A_87 = arith.constant 0 : i32
        %dma_start3A_88 = arith.constant 0 : i32
        %dma_start3A_89 = tpu.memref_slice %arg13[%dma_start3A_87, %dma_start3A_88] : memref<320x64xf32, #tpu.memory_space<vmem>> -> memref<320x64xf32, #tpu.memory_space<vmem>>
        %dma_start3A_90 = arith.constant 0 : i32
        %dma_start3A_91 = tpu.memref_slice %arg6[%add3A_82, %dma_start3A_90] : memref<20000x64xf32, #tpu.memory_space<hbm>> -> memref<320x64xf32, #tpu.memory_space<hbm>>
        %dma_start3A_92 = arith.constant 0 : i32
        %dma_start3A_93 = tpu.memref_slice %arg6[%add3A_82, %dma_start3A_92] : memref<20000x64xf32, #tpu.memory_space<hbm>> -> memref<320x64xf32, #tpu.memory_space<hbm>>
        %dma_start3A_94 = arith.constant 0 : i32
        %dma_start3A_95 = arith.constant 0 : i32
        %dma_start3A_96 = tpu.memref_slice %arg13[%dma_start3A_94, %dma_start3A_95] : memref<320x64xf32, #tpu.memory_space<vmem>> -> memref<320x64xf32, #tpu.memory_space<vmem>>
        tpu.enqueue_dma source(%dma_start3A_96 : memref<320x64xf32, #tpu.memory_space<vmem>>) target(%dma_start3A_93 : memref<320x64xf32, #tpu.memory_space<hbm>>) target_semaphore(%run_scoped3A : memref<!tpu.dma_semaphore, #tpu.memory_space<semaphore_mem>>)
        %dma_wait3A_97 = arith.constant 0 : i32
        %dma_wait3A_98 = arith.constant 0 : i32
        %dma_wait3A_99 = tpu.memref_slice %arg13[%dma_wait3A_97, %dma_wait3A_98] : memref<320x64xf32, #tpu.memory_space<vmem>> -> memref<320x64xf32, #tpu.memory_space<vmem>>
        %dma_wait3A_100 = arith.constant 0 : i32
        %dma_wait3A_101 = tpu.memref_slice %arg6[%add3A_82, %dma_wait3A_100] : memref<20000x64xf32, #tpu.memory_space<hbm>> -> memref<320x64xf32, #tpu.memory_space<hbm>>
        %dma_wait3A_102 = arith.constant 0 : i32
        %dma_wait3A_103 = tpu.memref_slice %arg6[%add3A_82, %dma_wait3A_102] : memref<20000x64xf32, #tpu.memory_space<hbm>> -> memref<320x64xf32, #tpu.memory_space<hbm>>
        %dma_wait3A_104 = arith.constant 0 : i32
        %dma_wait3A_105 = arith.constant 0 : i32
        %dma_wait3A_106 = tpu.memref_slice %arg13[%dma_wait3A_104, %dma_wait3A_105] : memref<320x64xf32, #tpu.memory_space<vmem>> -> memref<320x64xf32, #tpu.memory_space<vmem>>
        tpu.wait_dma2 semaphore(%run_scoped3A : memref<!tpu.dma_semaphore, #tpu.memory_space<semaphore_mem>>) src(%dma_wait3A_106 : memref<320x64xf32, #tpu.memory_space<vmem>>) dst(%dma_wait3A_103 : memref<320x64xf32, #tpu.memory_space<hbm>>)
        tpu.yield
      }) : () -> ()
      "tpu.region"() ({
        %run_scoped3A = tpu.sem_alloc : memref<!tpu.dma_semaphore, #tpu.memory_space<semaphore_mem>>
        %dma_start3A_87 = arith.constant 0 : i32
        %dma_start3A_88 = arith.constant 0 : i32
        %dma_start3A_89 = tpu.memref_slice %arg13[%dma_start3A_87, %dma_start3A_88] : memref<320x64xf32, #tpu.memory_space<vmem>> -> memref<200x64xf32, #tpu.memory_space<vmem>>
        %dma_start3A_90 = arith.constant 9800 : i32
        %dma_start3A_91 = arith.constant 0 : i32
        %dma_start3A_92 = tpu.memref_slice %arg14[%dma_start3A_90, %dma_start3A_91] : memref<10008x64xf32, #tpu.memory_space<vmem_shared>> -> memref<200x64xf32, #tpu.memory_space<vmem_shared>>
        %dma_start3A_93 = arith.constant 0 : i32
        %dma_start3A_94 = arith.constant 0 : i32
        %dma_start3A_95 = tpu.memref_slice %arg13[%dma_start3A_93, %dma_start3A_94] : memref<320x64xf32, #tpu.memory_space<vmem>> -> memref<200x64xf32, #tpu.memory_space<vmem>>
        %dma_start3A_96 = arith.constant 9800 : i32
        %dma_start3A_97 = arith.constant 0 : i32
        %dma_start3A_98 = tpu.memref_slice %arg14[%dma_start3A_96, %dma_start3A_97] : memref<10008x64xf32, #tpu.memory_space<vmem_shared>> -> memref<200x64xf32, #tpu.memory_space<vmem_shared>>
        tpu.enqueue_dma source(%dma_start3A_98 : memref<200x64xf32, #tpu.memory_space<vmem_shared>>) target(%dma_start3A_95 : memref<200x64xf32, #tpu.memory_space<vmem>>) target_semaphore(%run_scoped3A : memref<!tpu.dma_semaphore, #tpu.memory_space<semaphore_mem>>)
        %dma_wait3A_99 = arith.constant 0 : i32
        %dma_wait3A_100 = arith.constant 0 : i32
        %dma_wait3A_101 = tpu.memref_slice %arg13[%dma_wait3A_99, %dma_wait3A_100] : memref<320x64xf32, #tpu.memory_space<vmem>> -> memref<200x64xf32, #tpu.memory_space<vmem>>
        %dma_wait3A_102 = arith.constant 9800 : i32
        %dma_wait3A_103 = arith.constant 0 : i32
        %dma_wait3A_104 = tpu.memref_slice %arg14[%dma_wait3A_102, %dma_wait3A_103] : memref<10008x64xf32, #tpu.memory_space<vmem_shared>> -> memref<200x64xf32, #tpu.memory_space<vmem_shared>>
        %dma_wait3A_105 = arith.constant 0 : i32
        %dma_wait3A_106 = arith.constant 0 : i32
        %dma_wait3A_107 = tpu.memref_slice %arg13[%dma_wait3A_105, %dma_wait3A_106] : memref<320x64xf32, #tpu.memory_space<vmem>> -> memref<200x64xf32, #tpu.memory_space<vmem>>
        %dma_wait3A_108 = arith.constant 9800 : i32
        %dma_wait3A_109 = arith.constant 0 : i32
        %dma_wait3A_110 = tpu.memref_slice %arg14[%dma_wait3A_108, %dma_wait3A_109] : memref<10008x64xf32, #tpu.memory_space<vmem_shared>> -> memref<200x64xf32, #tpu.memory_space<vmem_shared>>
        tpu.wait_dma2 semaphore(%run_scoped3A : memref<!tpu.dma_semaphore, #tpu.memory_space<semaphore_mem>>) src(%dma_wait3A_110 : memref<200x64xf32, #tpu.memory_space<vmem_shared>>) dst(%dma_wait3A_107 : memref<200x64xf32, #tpu.memory_space<vmem>>)
        tpu.yield
      }) : () -> ()
      %mul3A_83 = arith.constant 10000 : i32
      %mul3A_84 = arith.muli %arg0, %mul3A_83 : i32
      %add3A_85 = arith.constant 9800 : i32
      %add3A_86 = arith.addi %mul3A_84, %add3A_85 : i32
      "tpu.region"() ({
        %run_scoped3A = tpu.sem_alloc : memref<!tpu.dma_semaphore, #tpu.memory_space<semaphore_mem>>
        %dma_start3A_87 = arith.constant 0 : i32
        %dma_start3A_88 = arith.constant 0 : i32
        %dma_start3A_89 = tpu.memref_slice %arg13[%dma_start3A_87, %dma_start3A_88] : memref<320x64xf32, #tpu.memory_space<vmem>> -> memref<200x64xf32, #tpu.memory_space<vmem>>
        %dma_start3A_90 = arith.constant 0 : i32
        %dma_start3A_91 = tpu.memref_slice %arg6[%add3A_86, %dma_start3A_90] : memref<20000x64xf32, #tpu.memory_space<hbm>> -> memref<200x64xf32, #tpu.memory_space<hbm>>
        %dma_start3A_92 = arith.constant 0 : i32
        %dma_start3A_93 = tpu.memref_slice %arg6[%add3A_86, %dma_start3A_92] : memref<20000x64xf32, #tpu.memory_space<hbm>> -> memref<200x64xf32, #tpu.memory_space<hbm>>
        %dma_start3A_94 = arith.constant 0 : i32
        %dma_start3A_95 = arith.constant 0 : i32
        %dma_start3A_96 = tpu.memref_slice %arg13[%dma_start3A_94, %dma_start3A_95] : memref<320x64xf32, #tpu.memory_space<vmem>> -> memref<200x64xf32, #tpu.memory_space<vmem>>
        tpu.enqueue_dma source(%dma_start3A_96 : memref<200x64xf32, #tpu.memory_space<vmem>>) target(%dma_start3A_93 : memref<200x64xf32, #tpu.memory_space<hbm>>) target_semaphore(%run_scoped3A : memref<!tpu.dma_semaphore, #tpu.memory_space<semaphore_mem>>)
        %dma_wait3A_97 = arith.constant 0 : i32
        %dma_wait3A_98 = arith.constant 0 : i32
        %dma_wait3A_99 = tpu.memref_slice %arg13[%dma_wait3A_97, %dma_wait3A_98] : memref<320x64xf32, #tpu.memory_space<vmem>> -> memref<200x64xf32, #tpu.memory_space<vmem>>
        %dma_wait3A_100 = arith.constant 0 : i32
        %dma_wait3A_101 = tpu.memref_slice %arg6[%add3A_86, %dma_wait3A_100] : memref<20000x64xf32, #tpu.memory_space<hbm>> -> memref<200x64xf32, #tpu.memory_space<hbm>>
        %dma_wait3A_102 = arith.constant 0 : i32
        %dma_wait3A_103 = tpu.memref_slice %arg6[%add3A_86, %dma_wait3A_102] : memref<20000x64xf32, #tpu.memory_space<hbm>> -> memref<200x64xf32, #tpu.memory_space<hbm>>
        %dma_wait3A_104 = arith.constant 0 : i32
        %dma_wait3A_105 = arith.constant 0 : i32
        %dma_wait3A_106 = tpu.memref_slice %arg13[%dma_wait3A_104, %dma_wait3A_105] : memref<320x64xf32, #tpu.memory_space<vmem>> -> memref<200x64xf32, #tpu.memory_space<vmem>>
        tpu.wait_dma2 semaphore(%run_scoped3A : memref<!tpu.dma_semaphore, #tpu.memory_space<semaphore_mem>>) src(%dma_wait3A_106 : memref<200x64xf32, #tpu.memory_space<vmem>>) dst(%dma_wait3A_103 : memref<200x64xf32, #tpu.memory_space<hbm>>)
        tpu.yield
      }) : () -> ()
    } else {
    }
    return
  }
}

module attributes {stable_mosaic.version = 14 : i64} {
  func.func @_feat_body(%arg0: i32, %arg1: memref<2000x128xf32, #tpu.memory_space<vmem>>, %arg2: memref<128x64xf32, #tpu.memory_space<vmem>>, %arg3: memref<1x64xf32, #tpu.memory_space<vmem>>, %arg4: memref<2000x64xf32, #tpu.memory_space<vmem>>) attributes {dimension_semantics = [#tpu.dimension_semantics<arbitrary>], iteration_bounds = array<i64: 5>, scalar_prefetch = 0 : i64, scratch_operands = 0 : i64, tpu.core_type = #tpu.core_type<tc>, window_params = [{transform_indices = @transform_0, window_bounds = array<i64: 2000, 128>}, {pipeline_mode = #tpu.pipeline_mode<synchronous>, transform_indices = @transform_1, window_bounds = array<i64: 128, 64>}, {pipeline_mode = #tpu.pipeline_mode<synchronous>, transform_indices = @transform_2, window_bounds = array<i64: 1, 64>}, {transform_indices = @transform_3, window_bounds = array<i64: 2000, 64>}]} {
    %get3A = arith.constant 0 : index
    %get3A_0 = arith.constant 0 : index
    %get3A_1 = vector.load %arg1[%get3A, %get3A_0] : memref<2000x128xf32, #tpu.memory_space<vmem>>, vector<2000x128xf32>
    %get3A_2 = arith.constant 0 : index
    %get3A_3 = arith.constant 0 : index
    %get3A_4 = vector.load %arg2[%get3A_2, %get3A_3] : memref<128x64xf32, #tpu.memory_space<vmem>>, vector<128x64xf32>
    %dot_general3A = arith.constant dense<0.000000e+00> : vector<2000x64xf32>
    %dot_general3A_5 = tpu.matmul %get3A_1, %get3A_4, %dot_general3A {dimension_numbers = #tpu.dot_dimension_numbers<[1], [0], [0], [1], [0, 0, 1, 1], [], []>, transpose_lhs_hint = false} : vector<2000x128xf32>, vector<128x64xf32>, vector<2000x64xf32> -> vector<2000x64xf32>
    %get3A_6 = arith.constant 0 : index
    %get3A_7 = arith.constant 0 : index
    %get3A_8 = vector.load %arg3[%get3A_6, %get3A_7] : memref<1x64xf32, #tpu.memory_space<vmem>>, vector<1x64xf32>
    %add3A = vector.broadcast %get3A_8 : vector<1x64xf32> to vector<2000x64xf32>
    %add3A_9 = arith.addf %dot_general3A_5, %add3A : vector<2000x64xf32>
    %slice3A = vector.extract_strided_slice %add3A_9 {offsets = [0, 0], sizes = [2000, 32], strides = [1, 1]} : vector<2000x64xf32> to vector<2000x32xf32>
    %slice3A_10 = vector.extract_strided_slice %add3A_9 {offsets = [0, 32], sizes = [2000, 32], strides = [1, 1]} : vector<2000x64xf32> to vector<2000x32xf32>
    %mul3A = arith.mulf %slice3A_10, %slice3A_10 : vector<2000x32xf32>
    %reduce_sum3A = arith.constant dense<0.000000e+00> : vector<2000xf32>
    %reduce_sum3A_11 = vector.multi_reduction <add>, %mul3A, %reduce_sum3A [1] : vector<2000x32xf32> to vector<2000xf32>
    %broadcast_in_dim3A = vector.shape_cast %reduce_sum3A_11 : vector<2000xf32> to vector<2000x1xf32>
    %sqrt3A = math.sqrt %broadcast_in_dim3A : vector<2000x1xf32>
    %max3A = arith.constant 9.99999996E-13 : f32
    %max3A_12 = vector.broadcast %max3A : f32 to vector<2000x1xf32>
    %max3A_13 = arith.maximumf %sqrt3A, %max3A_12 : vector<2000x1xf32>
    %div3A = arith.constant 1.800000e+00 : f32
    %div3A_14 = vector.broadcast %div3A : f32 to vector<2000x1xf32>
    %div3A_15 = arith.divf %div3A_14, %max3A_13 : vector<2000x1xf32>
    %mul3A_16 = vector.broadcast %div3A_15 : vector<2000x1xf32> to vector<2000x32xf32>
    %mul3A_17 = arith.mulf %slice3A_10, %mul3A_16 : vector<2000x32xf32>
    %concatenate3A = tpu.concatenate %slice3A, %mul3A_17 in 1 : vector<2000x32xf32>, vector<2000x32xf32> -> vector<2000x64xf32>
    %swap3A = arith.constant 0 : index
    %swap3A_18 = arith.constant 0 : index
    %swap3A_19 = vector.load %arg4[%swap3A, %swap3A_18] : memref<2000x64xf32, #tpu.memory_space<vmem>>, vector<2000x64xf32>
    tpu.vector_store %arg4[%swap3A, %swap3A_18], %concatenate3A {strides = array<i32>} : memref<2000x64xf32, #tpu.memory_space<vmem>>, vector<2000x64xf32>,
    return
  }
  func.func @transform_0(%arg0: i32) -> (i32, i32) {
    %c0_i32 = arith.constant 0 : i32
    %c0_i32_0 = arith.constant 0 : i32
    return %arg0, %c0_i32 : i32, i32
  }
  func.func @transform_1(%arg0: i32) -> (i32, i32) {
    %c0_i32 = arith.constant 0 : i32
    %c0_i32_0 = arith.constant 0 : i32
    %c0_i32_1 = arith.constant 0 : i32
    return %c0_i32, %c0_i32_0 : i32, i32
  }
  func.func @transform_2(%arg0: i32) -> (i32, i32) {
    %c0_i32 = arith.constant 0 : i32
    %c0_i32_0 = arith.constant 0 : i32
    %c0_i32_1 = arith.constant 0 : i32
    return %c0_i32, %c0_i32_0 : i32, i32
  }
  func.func @transform_3(%arg0: i32) -> (i32, i32) {
    %c0_i32 = arith.constant 0 : i32
    %c0_i32_0 = arith.constant 0 : i32
    return %arg0, %c0_i32 : i32, i32
  }
}

module attributes {stable_mosaic.version = 14 : i64} {
  func.func @_scale_body(%arg0: i32, %arg1: memref<2000x2xf32, #tpu.memory_space<vmem>>, %arg2: memref<2000x64xf32, #tpu.memory_space<vmem>>, %arg3: memref<2000x1xf32, #tpu.memory_space<vmem>>, %arg4: memref<2000x64xf32, #tpu.memory_space<vmem>>) attributes {dimension_semantics = [#tpu.dimension_semantics<arbitrary>], iteration_bounds = array<i64: 5>, scalar_prefetch = 0 : i64, scratch_operands = 0 : i64, tpu.core_type = #tpu.core_type<tc>, window_params = [{transform_indices = @transform_0, window_bounds = array<i64: 2000, 2>}, {transform_indices = @transform_1, window_bounds = array<i64: 2000, 64>}, {transform_indices = @transform_2, window_bounds = array<i64: 2000, 1>}, {transform_indices = @transform_3, window_bounds = array<i64: 2000, 64>}]} {
    %get3A = arith.constant 0 : index
    %get3A_0 = arith.constant 0 : index
    %get3A_1 = vector.load %arg1[%get3A, %get3A_0] : memref<2000x2xf32, #tpu.memory_space<vmem>>, vector<2000x1xf32>
    %get3A_2 = arith.constant 0 : index
    %get3A_3 = arith.constant 1 : index
    %get3A_4 = vector.load %arg1[%get3A_2, %get3A_3] : memref<2000x2xf32, #tpu.memory_space<vmem>>, vector<2000x1xf32>
    %add3A = arith.addf %get3A_1, %get3A_4 : vector<2000x1xf32>
    %add3A_5 = arith.constant 1.000000e+00 : f32
    %add3A_6 = vector.broadcast %add3A_5 : f32 to vector<2000x1xf32>
    %add3A_7 = arith.addf %add3A, %add3A_6 : vector<2000x1xf32>
    %rsqrt3A = math.rsqrt %add3A_7 : vector<2000x1xf32>
    %swap3A = arith.constant 0 : index
    %swap3A_8 = arith.constant 0 : index
    %swap3A_9 = vector.load %arg3[%swap3A, %swap3A_8] : memref<2000x1xf32, #tpu.memory_space<vmem>>, vector<2000x1xf32>
    tpu.vector_store %arg3[%swap3A, %swap3A_8], %rsqrt3A {strides = array<i32>} : memref<2000x1xf32, #tpu.memory_space<vmem>>, vector<2000x1xf32>,
    %get3A_10 = arith.constant 0 : index
    %get3A_11 = arith.constant 0 : index
    %get3A_12 = vector.load %arg2[%get3A_10, %get3A_11] : memref<2000x64xf32, #tpu.memory_space<vmem>>, vector<2000x64xf32>
    %mul3A = vector.broadcast %rsqrt3A : vector<2000x1xf32> to vector<2000x64xf32>
    %mul3A_13 = arith.mulf %get3A_12, %mul3A : vector<2000x64xf32>
    %swap3A_14 = arith.constant 0 : index
    %swap3A_15 = arith.constant 0 : index
    %swap3A_16 = vector.load %arg4[%swap3A_14, %swap3A_15] : memref<2000x64xf32, #tpu.memory_space<vmem>>, vector<2000x64xf32>
    tpu.vector_store %arg4[%swap3A_14, %swap3A_15], %mul3A_13 {strides = array<i32>} : memref<2000x64xf32, #tpu.memory_space<vmem>>, vector<2000x64xf32>,
    return
  }
  func.func @transform_0(%arg0: i32) -> (i32, i32) {
    %c0_i32 = arith.constant 0 : i32
    %c0_i32_0 = arith.constant 0 : i32
    return %arg0, %c0_i32 : i32, i32
  }
  func.func @transform_1(%arg0: i32) -> (i32, i32) {
    %c0_i32 = arith.constant 0 : i32
    %c0_i32_0 = arith.constant 0 : i32
    return %arg0, %c0_i32 : i32, i32
  }
  func.func @transform_2(%arg0: i32) -> (i32, i32) {
    %c0_i32 = arith.constant 0 : i32
    %c0_i32_0 = arith.constant 0 : i32
    return %arg0, %c0_i32 : i32, i32
  }
  func.func @transform_3(%arg0: i32) -> (i32, i32) {
    %c0_i32 = arith.constant 0 : i32
    %c0_i32_0 = arith.constant 0 : i32
    return %arg0, %c0_i32 : i32, i32
  }
}

module attributes {stable_mosaic.version = 14 : i64} {
  func.func @_combine_body(%arg0: i32, %arg1: memref<2000x64xf32, #tpu.memory_space<vmem>>, %arg2: memref<2000x64xf32, #tpu.memory_space<vmem>>, %arg3: memref<2000x64xf32, #tpu.memory_space<vmem>>, %arg4: memref<2000x1xf32, #tpu.memory_space<vmem>>, %arg5: memref<2000x32xf32, #tpu.memory_space<vmem>>, %arg6: memref<2000x32xf32, #tpu.memory_space<vmem>>) attributes {dimension_semantics = [#tpu.dimension_semantics<arbitrary>], iteration_bounds = array<i64: 5>, scalar_prefetch = 0 : i64, scratch_operands = 0 : i64, tpu.core_type = #tpu.core_type<tc>, window_params = [{transform_indices = @transform_0, window_bounds = array<i64: 2000, 64>}, {transform_indices = @transform_1, window_bounds = array<i64: 2000, 64>}, {transform_indices = @transform_2, window_bounds = array<i64: 2000, 64>}, {transform_indices = @transform_3, window_bounds = array<i64: 2000, 1>}, {transform_indices = @transform_4, window_bounds = array<i64: 2000, 32>}, {transform_indices = @transform_5, window_bounds = array<i64: 2000, 32>}]} {
    %get3A = arith.constant 0 : index
    %get3A_0 = arith.constant 0 : index
    %get3A_1 = vector.load %arg1[%get3A, %get3A_0] : memref<2000x64xf32, #tpu.memory_space<vmem>>, vector<2000x64xf32>
    %get3A_2 = arith.constant 0 : index
    %get3A_3 = arith.constant 0 : index
    %get3A_4 = vector.load %arg2[%get3A_2, %get3A_3] : memref<2000x64xf32, #tpu.memory_space<vmem>>, vector<2000x64xf32>
    %add3A = arith.addf %get3A_1, %get3A_4 : vector<2000x64xf32>
    %get3A_5 = arith.constant 0 : index
    %get3A_6 = arith.constant 0 : index
    %get3A_7 = vector.load %arg3[%get3A_5, %get3A_6] : memref<2000x64xf32, #tpu.memory_space<vmem>>, vector<2000x64xf32>
    %add3A_8 = arith.addf %add3A, %get3A_7 : vector<2000x64xf32>
    %get3A_9 = arith.constant 0 : index
    %get3A_10 = arith.constant 0 : index
    %get3A_11 = vector.load %arg4[%get3A_9, %get3A_10] : memref<2000x1xf32, #tpu.memory_space<vmem>>, vector<2000x1xf32>
    %mul3A = vector.broadcast %get3A_11 : vector<2000x1xf32> to vector<2000x64xf32>
    %mul3A_12 = arith.mulf %add3A_8, %mul3A : vector<2000x64xf32>
    %slice3A = vector.extract_strided_slice %mul3A_12 {offsets = [0, 0], sizes = [2000, 32], strides = [1, 1]} : vector<2000x64xf32> to vector<2000x32xf32>
    %swap3A = arith.constant 0 : index
    %swap3A_13 = arith.constant 0 : index
    %swap3A_14 = vector.load %arg5[%swap3A, %swap3A_13] : memref<2000x32xf32, #tpu.memory_space<vmem>>, vector<2000x32xf32>
    tpu.vector_store %arg5[%swap3A, %swap3A_13], %slice3A {strides = array<i32>} : memref<2000x32xf32, #tpu.memory_space<vmem>>, vector<2000x32xf32>,
    %slice3A_15 = vector.extract_strided_slice %mul3A_12 {offsets = [0, 32], sizes = [2000, 32], strides = [1, 1]} : vector<2000x64xf32> to vector<2000x32xf32>
    %swap3A_16 = arith.constant 0 : index
    %swap3A_17 = arith.constant 0 : index
    %swap3A_18 = vector.load %arg6[%swap3A_16, %swap3A_17] : memref<2000x32xf32, #tpu.memory_space<vmem>>, vector<2000x32xf32>
    tpu.vector_store %arg6[%swap3A_16, %swap3A_17], %slice3A_15 {strides = array<i32>} : memref<2000x32xf32, #tpu.memory_space<vmem>>, vector<2000x32xf32>,
    return
  }
  func.func @transform_0(%arg0: i32) -> (i32, i32) {
    %c0_i32 = arith.constant 0 : i32
    %c0_i32_0 = arith.constant 0 : i32
    return %arg0, %c0_i32 : i32, i32
  }
  func.func @transform_1(%arg0: i32) -> (i32, i32) {
    %c0_i32 = arith.constant 0 : i32
    %c0_i32_0 = arith.constant 0 : i32
    return %arg0, %c0_i32 : i32, i32
  }
  func.func @transform_2(%arg0: i32) -> (i32, i32) {
    %c0_i32 = arith.constant 0 : i32
    %c0_i32_0 = arith.constant 0 : i32
    return %arg0, %c0_i32 : i32, i32
  }
  func.func @transform_3(%arg0: i32) -> (i32, i32) {
    %c0_i32 = arith.constant 0 : i32
    %c0_i32_0 = arith.constant 0 : i32
    return %arg0, %c0_i32 : i32, i32
  }
  func.func @transform_4(%arg0: i32) -> (i32, i32) {
    %c0_i32 = arith.constant 0 : i32
    %c0_i32_0 = arith.constant 0 : i32
    return %arg0, %c0_i32 : i32, i32
  }
  func.func @transform_5(%arg0: i32) -> (i32, i32) {
    %c0_i32 = arith.constant 0 : i32
    %c0_i32_0 = arith.constant 0 : i32
    return %arg0, %c0_i32 : i32, i32
  }
}

</mosaic_0001>

<sc_bundles>
// kernel: kernel.10.cloned.1.call-start
scs
__scs_entry_jumppad:
0x0: {  	(pc) =	sbr.rel $0x88, $3  }
0x1: {  	(tag) =	ssettag $0x0;
	lr =	simm.s32 $0x1  }
0x2: {  	[smem:$0x3F9B] =	sst lr;
	_ =	strace $0xD0000000  }
0x3: {  	_ = 	snop  }
0x4: {  	_ = 	snop  }
0x5: {  	_ = 	snop  }
0x6: {  	_ = 	snop  }
0x7: {  	_ = 	snop  }
__scs_overlays_trampoline_lowered:
0x8: {  	[smem:$0x3FAA] =	sst s0  }
0x9: {  	[smem:$0x3FAB] =	sst s1  }
0xa: {  	[smem:$0x3FAC] =	sst s2  }
0xb: {  	[smem:$0x3FAD] =	sst s3  }
0xc: {  	[smem:$0x3FAE] =	sst s4  }
0xd: {  	[smem:$0x3FAF] =	sst s5  }
0xe: {  	[smem:$0x3FB0] =	sst s6  }
0xf: {  	[smem:$0x3FB1] =	sst s7  }
0x10: {  	[smem:$0x3FB2] =	sst s8  }
0x11: {  	[smem:$0x3FB3] =	sst s9;
	s0 =	simm.s32 @!p0 $0x0  }
0x12: {  	s1 =	sld [smem:$0x3F99];
	s0 =	simm.s32 @p0 $0x1  }
0x13: {  	[smem:$0x3FB4] =	sst s0;
	s0 =	simm.s32 @!p1 $0x0  }
0x14: {  	s2 =	sld [smem:$0x3F98];
	s0 =	simm.s32 @p1 $0x1  }
0x15: {  	[smem:$0x3FB5] =	sst s0;
	s0 =	simm.s32 @!p2 $0x0  }
0x16: {  	s3 =	sld [smem:$0x3FDB];
	s0 =	simm.s32 @p2 $0x1  }
0x17: {  	s4 =	simm.s32 $0x1BF5;
	[smem:$0x3FB7] =	sst s0  }
0x18: {  	s0 =	sld [smem:$0x3F9A];
	_ =	swait.ge [sflag:s4], $0x0  }
0x19: {  	s7 =	sld [smem:$0x3F9B]  }
0x1a: {  	s8 =	sadd.s32 $0xFFFFE003, lr  }
0x1b: {  	s9 =	sadd.s32 $0xFFFFFEF7, lr;
	s5 =	simm.s32 $0xFFFFFFFF;
	p2 =	slt.u32 s8, $0xFFFFF086  }
0x1c: {  	p1 =	slt.u32 s9, $0xF7A;
	s5 =	simm.s32 @!p2 $0x0  }
0x1d: {  	s5 =	simm.s32 @p1 $0x1;
	p0 =	seq.s32 s7, s2  }
0x1e: {  	s7 =	smul.u32 @!p0 $0xF7A, s2;
	p2 =	seq.s32 @!p0 s5, $0x0  }
0x1f: {  	s9 =	smul.u32 $0xF7A, s1;
	s8 =	simm.s32 @!p0 $0x1BF5;
	p2 =	por !p2, p0  }
0x20: {  	[sflag:s8] =	ssyncset.s32 @!p0 $0xFFFFF086;
	s6 =	sadd.s32 @!p0 s3, s7;
	s7 =	simm.s32 @!p0 $0x108  }
0x21: {  	s3 =	sadd.s32 s3, s9;
	s6 =	sadd.s32 @!p0 $0x88, s6;
	s7 =	simm.s32 @p2 $0x1082  }
0x22: {  	[simem:s7], [sflag:s8] =	dma.local @!p0 [hbm:s6], $0xF7A  }
0x23: {  	s9 =	sor.u32 $0xD0000000, s2;
	s6 =	simm.s32 $0x108;
	_ =	swait.ge @!p0 [sflag:s8], $0x0  }
0x24: {  	s3 =	sadd.s32 $0x88, s3;
	s6 =	simm.s32 @!p1 $0x1082;
	[sflag:s4] =	ssyncset.s32 $0xFFFFF086  }
0x25: {  	[simem:s6], [sflag:s4] =	dma.local [hbm:s3], $0xF7A  }
0x26: {  	[smem:$0x3F9B] =	sst s1;
	(tag) =	ssettag s2;
	_ =	strace s9  }
0x27: {  	s1 =	sld [smem:$0x3FAB]  }
0x28: {  	s2 =	sld [smem:$0x3FAC]  }
0x29: {  	s4 =	sld [smem:$0x3FAE]  }
0x2a: {  	p0 =	seq.s32 s5, $0x0;
	s5 =	sld [smem:$0x3FAF]  }
0x2b: {  	s6 =	sld [smem:$0x3FB0]  }
0x2c: {  	s7 =	sld [smem:$0x3FB1]  }
0x2d: {  	s3 =	simm.s32 $0x108;
	s8 =	sld [smem:$0x3FB2]  }
0x2e: {  	s3 =	simm.s32 @!p0 $0x1082;
	s9 =	sld [smem:$0x3FB3]  }
0x2f: {  	lr =	sadd.s32 s0, s3;
	s0 =	sld [smem:$0x3FAA]  }
0x30: {  	s3 =	sld [smem:$0x3FAD]  }
0x31: {  	[smem:$0x3FB6] =	sst s10  }
0x32: {  	s10 =	sld [smem:$0x3FB4];
	_ =	sdelay $0x3  }
0x33: {  	p0 =	seq.s32 s10, $0x1;
	s10 =	sld [smem:$0x3FB6];
	_ =	sdelay $0x3  }
0x34: {  	[smem:$0x3FB6] =	sst s10  }
0x35: {  	s10 =	sld [smem:$0x3FB5];
	_ =	sdelay $0x3  }
0x36: {  	p1 =	seq.s32 s10, $0x1;
	s10 =	sld [smem:$0x3FB6];
	_ =	sdelay $0x3  }
0x37: {  	[smem:$0x3FB6] =	sst s10  }
0x38: {  	s10 =	sld [smem:$0x3FB7]  }
0x39: {  	_ = 	snop;
	(pc) =	sbr.ind lr, $3  }
0x3a: {  	_ = 	snop  }
0x3b: {  	_ = 	snop  }
0x3c: {  	p2 =	seq.s32 s10, $0x1;
	s10 =	sld [smem:$0x3FB6]  }
0x3d: {  	_ =	shalt  }
0x3e: {  	_ =	shalt  }
0x3f: {  	_ =	shalt  }
0x40: {  	_ =	shalt  }
0x41: {  	_ =	shalt  }
0x42: {  	_ =	shalt  }
0x43: {  	_ =	shalt  }
0x44: {  	_ =	shalt  }
0x45: {  	_ =	shalt  }
0x46: {  	_ =	shalt  }
0x47: {  	_ =	shalt  }
0x48: {  	_ =	shalt  }
0x49: {  	_ =	shalt  }
0x4a: {  	_ =	shalt  }
0x4b: {  	_ =	shalt  }
0x4c: {  	_ =	shalt  }
0x4d: {  	_ =	shalt  }
0x4e: {  	_ =	shalt  }
0x4f: {  	_ =	shalt  }
0x50: {  	_ =	shalt  }
0x51: {  	_ =	shalt  }
0x52: {  	_ =	shalt  }
0x53: {  	_ =	shalt  }
0x54: {  	_ =	shalt  }
0x55: {  	_ =	shalt  }
0x56: {  	_ =	shalt  }
0x57: {  	_ =	shalt  }
0x58: {  	_ =	shalt  }
0x59: {  	_ =	shalt  }
0x5a: {  	_ =	shalt  }
0x5b: {  	_ =	shalt  }
0x5c: {  	_ =	shalt  }
0x5d: {  	_ =	shalt  }
0x5e: {  	_ =	shalt  }
0x5f: {  	_ =	shalt  }
0x60: {  	_ =	shalt  }
0x61: {  	_ =	shalt  }
0x62: {  	_ =	shalt  }
0x63: {  	_ =	shalt  }
0x64: {  	_ =	shalt  }
0x65: {  	_ =	shalt  }
0x66: {  	_ =	shalt  }
0x67: {  	_ =	shalt  }
0x68: {  	_ =	shalt  }
0x69: {  	_ =	shalt  }
0x6a: {  	_ =	shalt  }
0x6b: {  	_ =	shalt  }
0x6c: {  	_ =	shalt  }
0x6d: {  	_ =	shalt  }
0x6e: {  	_ =	shalt  }
0x6f: {  	_ =	shalt  }
0x70: {  	_ =	shalt  }
0x71: {  	_ =	shalt  }
0x72: {  	_ =	shalt  }
0x73: {  	_ =	shalt  }
0x74: {  	_ =	shalt  }
0x75: {  	_ =	shalt  }
0x76: {  	_ =	shalt  }
0x77: {  	_ =	shalt  }
0x78: {  	_ =	shalt  }
0x79: {  	_ =	shalt  }
0x7a: {  	_ =	shalt  }
0x7b: {  	_ =	shalt  }
0x7c: {  	_ =	shalt  }
0x7d: {  	_ =	shalt  }
0x7e: {  	_ =	shalt  }
0x7f: {  	_ =	shalt  }
0x80: {  	_ =	shalt  }
0x81: {  	_ =	shalt  }
0x82: {  	_ =	shalt  }
0x83: {  	_ =	shalt  }
0x84: {  	_ =	shalt  }
0x85: {  	_ =	shalt  }
0x86: {  	_ =	shalt  }
0x87: {  	_ =	shalt  }
.Lfunc_end0:
.L_simem_size_0:
called_computation.1_lowered:
.L_overlay_start_0:
0x88: {  	s2 =	sld [smem:$0x3FD9]  }
0x89: {  	s3 =	sld [smem:$0x3FFE];
	_ =	sdelay $0x1  }
0x8a: {  	s1 =	srdreg.scid  }
0x8b: {  	s0 =	sand.u32 $0x1, s1  }
0x8c: {  	s14 =	sshll.u32 s0, $0xA;
	s2 =	sadd.s32 s3, s2  }
0x8d: {  	s2 =	sadd.s32 s2, s14  }
0x8e: {  	[smem:$0x3FC2] =	sst s2  }
0x8f: {  	_ = 	snop  }
0x90: {  	s2 =	sld [smem:$0x3FD0];
	_ =	sdelay $0x2  }
0x91: {  	s15 =	simm.s32 $0xA;
	s4 =	simm.s32 $0x10  }
0x92: {  	[smem:s4], [sflag:s15] =	dma.local [hbm:s2], $0x1  }
0x93: {  	_ =	swait.eq [sflag:s15], $0x1  }
0x94: {  	[sflag:s15] =	ssyncset.done $0x0  }
0x95: {  	[sflag:s15] =	ssyncadd.s32 $0xFFFFFFFF  }
0x96: {  	s16 =	sld [smem:$0x11];
	(tm) =	ssettm $0x1  }
0x97: {  	s17 =	sld [smem:$0x3FFB];
	_ =	sdelay $0x3  }
0x98: {  	_ =	strace s17  }
0x99: {  	s3 =	sld [smem:$0x3FFC];
	_ =	sdelay $0x3  }
0x9a: {  	_ =	strace s3  }
0x9b: {  	s3 =	sld [smem:$0x3FFD];
	_ =	sdelay $0x3  }
0x9c: {  	_ =	strace s3  }
0x9d: {  	_ =	strace $0x8FFFFFFF  }
0x9e: {  	s18 =	sld [smem:$0x3FDB];
	_ =	sdelay $0x1  }
0x9f: {  	s19 =	simm.s32 $_scs_section_size  }
0xa0: {  	s5 =	simm.s32 $_size__tile_overlayer_lowered;
	s6 =	simm.s32 $_tile_overlayer_lowered  }
0xa1: {  	s22 =	simm.s32 $0x1BFF;
	s21 =	sshll.u32 s6, $0x1;
	s3 =	sadd.s32 s19, s18  }
0xa2: {  	s7 =	simm.s32 $0x0;
	s20 =	sshll.u32 s5, $0x1;
	s5 =	sadd.s32 s21, s3  }
0xa3: {  	[timem:s7], [sflag:s22] =	dma.local [hbm:s5], s20  }
0xa4: {  	_ =	swait.ge [sflag:s22], s20  }
0xa5: {  	s4 =	ssub.s32 $0x0, s20;
	[sflag:s22] =	ssyncset.done $0x0  }
0xa6: {  	[sflag:s22] =	ssyncadd.s32 s4;
	_ =	sdelay $0x1  }
0xa7: {  	s23 =	simm.s32 $0x1B8B  }
0xa8: {  	_ =	swait.ge [sflag:s23], $0x1  }
0xa9: {  	[sflag:s23] =	ssyncset.done $0x0  }
0xaa: {  	s25 =	simm.s32 $0x1B8E;
	s24 =	sld [smem:$0x3FFE];
	[sflag:s23] =	ssyncadd.s32 $0xFFFFFFFF  }
0xab: {  	s26 =	simm.s32 $execute0_lowered;
	[smem:$0x3FD2] =	sst s25  }
0xac: {  	s5 =	sshll.u32 s26, $0x1;
	_ =	strace $0x80000049;
	[dreg:$0x1] =	wrdreg $0xFFFFFFFF  }
0xad: {  	s28 =	simm.s32 $_size_execute0_lowered;
	s3 =	sadd.s32 s3, s5;
	[dreg:$0x0] =	wrdreg $0x0  }
0xae: {  	s5 =	sshll.u32 s28, $0x1;
	[dreg:$0x2] =	wrdreg s3  }
0xaf: {  	[dreg:$0x3] =	wrdreg s5  }
0xb0: {  	[dreg:$0x4] =	wrdreg $0xC0  }
0xb1: {  	_ =	task [dreg:s7], $0x5FFFF  }
0xb2: {  	[dreg:$0x1] =	wrdreg $0xFFFFFFFF  }
0xb3: {  	[dreg:$0x0] =	wrdreg $0x60  }
0xb4: {  	[dreg:$0x2] =	wrdreg s24  }
0xb5: {  	[dreg:$0x3] =	wrdreg s16  }
0xb6: {  	[dreg:$0x4] =	wrdreg $0x120000  }
0xb7: {  	[dreg:$0x5] =	wrdreg $0x9  }
0xb8: {  	_ =	task.clear_ibuf [dreg:s7], $0x6FFFF;
	_ =	strace $0x90000049  }
0xb9: {  	s29 =	simm.s32 $0x9;
	_ =	strace $0x8000004B  }
0xba: {  	_ =	swait.ge [sflag:s29], $0x1  }
0xbb: {  	[sflag:s29] =	ssyncadd.s32 $0xFFFFFFFF  }
0xbc: {  	_ =	strace $0x9000004B  }
0xbd: {  	_ =	sfence  }
0xbe: {  	s30 =	sld [smem:$0x0];
	_ =	sdelay $0x2  }
0xbf: {  	s31 =	sshll.u32 s1, $0xD;
	s1 =	sshrl.u32 s1, $0x2  }
0xc0: {  	s3 =	sand.u32 $0x4000, s31;
	s1 =	sadd.s32 s1, s30  }
0xc1: {  	s0 =	sor.u32 s3, s0;
	s1 =	sshll.u32 s1, $0x11  }
0xc2: {  	s0 =	sor.u32 s1, s0  }
0xc3: {  	s0 =	sadd.s32 $0x8F2B, s0  }
0xc4: {  	[sflag:s0] =	ssyncadd.remote.s32 $0x1  }
0xc5: {  	_ =	sfence.sel $0xFFFF  }
0xc6: {  	[dreg:$0x0] =	wrdreg $0xFFFFFFFF;
	(pc) =	sbr.abs _section_cstart, $3  }
0xc7: {  	[dreg:$0x1] =	wrdreg $0xFFFFFFFF  }
0xc8: {  	_ =	task.clear_ibuf [dreg:s7], $0x2FFFF;
	_ =	strace $0x9FFFFFFF  }
0xc9: {  	(tm) =	ssettm $0x7FFFFFFF  }
tec
execute0_lowered:
.L_overlay_start_1:
0x0: {  	(tag) =	ssettag $0x1  }
0x1: {  	s0 =	rddreg [dreg:$0x0]  }
0x2: {  	s1 =	srdreg.scid;
	s13 =	stileid.u32  }
0x3: {  	s3 =	rddreg [dreg:$0x2];
	s4 =	simm.s32 $0x0;
	s19 =	simm.s32 $0x9  }
0x4: {  	s28 =	simm.s32 $0x1;
	s30 =	simm.s32 $0xB000;
	s31 =	simm.s32 $0x2  }
0x5: {  	s29 =	simm.s32 $0x4;
	s1 =	sand.u32 $0x1, s1;
	s2 =	sshll.u32 s13, $0x1  }
0x6: {  	[smem:$0x7FF] =	sst s4;
	s6 =	smul.u32 $0x27800, s13;
	s5 =	sadd.s32 $0x63E00, s0  }
0x7: {  	s11 =	smul.u32 $0x278, s13;
	s18 =	sadd.s32 $0x9C400, s3;
	s9 =	sadd.s32 $0x99200, s3  }
0x8: {  	p0 =	sne.s32 s13, $0xF;
	p2 =	seq.s32 s13, $0xF;
	s10 =	smul.u32 $0x2710, s1  }
0x9: {  	s2 =	sor.u32 s1, s2;
	s7 =	ssub.s32 $0x2, s1;
	s1 =	smul.u32 $0x9C400, s1  }
0xa: {  	_ =	strace $0x8000004A;
	p1 =	sne.s32 @p0 s13, $0x0;
	s2 =	smul.u32 $0x500, s2  }
0xb: {  	s8 =	sshrl.u32 s7, $0x1;
	s6 =	sshrl.u32 s6, $0x2;
	p1 =	por p1, !p0  }
0xc: {  	s7 =	ssub.s32 s7, s8;
	s6 =	sadd.s32 s6, s3;
	s8 =	sadd.s32 $0x94200, s3  }
0xd: {  	s22 =	sadd.s32 s11, s10;
	s11 =	sadd.s32 $0x140, s11;
	s1 =	sshrl.u32 s1, $0x3  }
0xe: {  	s20 =	sshrl.u32 @!p1 s18, $0x3;
	s18 =	simm.s32 $0x7;
	s2 =	sadd.s32 s2, s0  }
0xf: {  	s0 =	sadd.s32 $0x77800, s0;
	s21 =	sadd.s32 $0x5000, s6;
	s24 =	sshll.u32 s11, $0x6  }
0x10: {  	s25 =	sadd.s32 s10, s11;
	s17 =	smax.u32 s7, $0x1;
	s7 =	simm.s32 $0x0  }
0x11: {  	[dreg:$0x4] =	wrdreg s21;
	s12 =	sadd.s32 $0xBA00, s2;
	s2 =	sadd.s32 $0x1A00, s2  }
0x12: {  	s1 =	sadd.s32 s0, s1;
	s21 =	simm.s32 $0x2800;
	[dreg:$0x5] =	wrdreg s12  }
0x13: {  	s12 =	sshll.u32 s22, $0x3;
	[dreg:$0x6] =	wrdreg s2;
	s2 =	sadd.s32 s24, s3  }
0x14: {  	s26 =	sadd.s32 $0x12840, s1;
	s16 =	sadd.s32 $0x13240, s1;
	s22 =	simm.s32 $0x80  }
.Ltmp0:
0x15: {  	s24 =	simm.s32 $0x7000;
	s1 =	simm.s32 $0x6;
	(pc) =	sbr.rel .LBB2_1-.Ltmp0, $4  }
0x16: {  	s23 =	sadd.s32 s0, s12;
	[dreg:$0x8] =	wrdreg s2;
	s2 =	sshll.u32 s25, $0x3  }
0x17: {  	[dreg:$0xa] =	wrdreg s26;
	s26 =	simm.s32 $0x9000;
	s25 =	simm.s32 $0x3  }
0x18: {  	[dreg:$0x7] =	wrdreg s23;
	s0 =	sadd.s32 s0, s2;
	s23 =	simm.s32 $0x5000  }
0x19: {  	s2 =	simm.s32 $0x8;
	[dreg:$0x9] =	wrdreg s0;
	s0 =	simm.s32 $0x5  }
.LBB2_4:
0x1a: {  	_ =	swait.ge [sflag:s0], $0x2000  }
0x1b: {  	[sflag:s0] =	ssyncset.done $0x0  }
0x1c: {  	[sflag:s0] =	ssyncadd.s32 $0xFFFFE000  }
0x1d: {  	_ =	swait.ge [sflag:s1], $0x2000  }
0x1e: {  	[sflag:s1] =	ssyncset.done $0x0  }
0x1f: {  	[sflag:s1] =	ssyncadd.s32 $0xFFFFE000  }
0x20: {  	_ =	swait.ge [sflag:s18], $0x2000  }
0x21: {  	[sflag:s18] =	ssyncset.done $0x0  }
0x22: {  	[sflag:s18] =	ssyncadd.s32 $0xFFFFE000  }
0x23: {  	_ =	swait.ge [sflag:s2], $0x2000  }
0x24: {  	[sflag:s2] =	ssyncset.done $0x0  }
0x25: {  	[sflag:s2] =	ssyncadd.s32 $0xFFFFE000  }
0x26: {  	s10 =	simm.s32 @p2 $0xD000;
	s11 =	simm.s32 @p2 $0x9;
	[bflag:$0x0] =	sbarrier.arrive $0xFFFF  }
0x27: {  	[tilespmem:s10], [sflag:$0x9] =	stream.linear.gather @p2 [spmem:s8], $0x5000, $0x38;
	[tilespmem:$0x1BC60] =	vst v63  }
0x28: {  	_ =	swait.ge @p2 [sflag:s11], $0x5000  }
0x29: {  	[sflag:s11] =	ssyncset.done @p2 $0x0  }
0x2a: {  	s12 =	simm.s32 @p2 $0x0;
	s13 =	rddreg [dreg:$0xa];
	[sflag:s11] =	ssyncadd.s32 @p2 $0xFFFFB000  }
0x2b: {  	[hbm4b:s13+s12] =	stream.linear.scatter @p2 [tilespmem:s10], [sflag:$0x9], $0x5000, $0x38;
	[tilespmem:$0x1BC60] =	vst v63  }
0x2c: {  	_ =	swait.ge @p2 [sflag:s11], $0x5000  }
0x2d: {  	[sflag:s11] =	ssyncset.done @p2 $0x0  }
0x2e: {  	[sflag:s11] =	ssyncadd.s32 @p2 $0xFFFFB000  }
0x2f: {  	[tilespmem:s10], [sflag:$0x9] =	stream.linear.gather @p2 [spmem:s9], $0x3200, $0x38;
	[tilespmem:$0x1BC60] =	vst v63  }
0x30: {  	_ =	swait.ge @p2 [sflag:s11], $0x3200  }
0x31: {  	[sflag:s11] =	ssyncset.done @p2 $0x0  }
0x32: {  	[sflag:s11] =	ssyncadd.s32 @p2 $0xFFFFCE00  }
0x33: {  	[hbm4b:s16+s12] =	stream.linear.scatter @p2 [tilespmem:s10], [sflag:$0x9], $0x3200, $0x38;
	[tilespmem:$0x1BC60] =	vst v63  }
0x34: {  	_ =	swait.ge @p2 [sflag:s11], $0x3200  }
0x35: {  	[sflag:s11] =	ssyncset.done @p2 $0x0  }
0x36: {  	s10 =	simm.s32 @!p2 $0xD000;
	[sflag:s11] =	ssyncadd.s32 @p2 $0xFFFFCE00;
	s11 =	simm.s32 @!p2 $0x9  }
0x37: {  	[tilespmem:s10], [sflag:$0x9] =	stream.linear.gather @!p2 [spmem:s6], $0x5000, $0x38;
	[tilespmem:$0x1BC60] =	vst v63  }
0x38: {  	_ =	swait.ge @!p2 [sflag:s11], $0x5000  }
0x39: {  	[sflag:s11] =	ssyncset.done @!p2 $0x0  }
0x3a: {  	s12 =	simm.s32 @!p2 $0x0;
	s13 =	rddreg [dreg:$0x7];
	[sflag:s11] =	ssyncadd.s32 @!p2 $0xFFFFB000  }
0x3b: {  	[hbm4b:s13+s12] =	stream.linear.scatter @!p2 [tilespmem:s10], [sflag:$0x9], $0x5000, $0x38;
	[tilespmem:$0x1BC60] =	vst v63  }
0x3c: {  	_ =	swait.ge @!p2 [sflag:s11], $0x5000  }
0x3d: {  	[sflag:s11] =	ssyncset.done @!p2 $0x0  }
0x3e: {  	s13 =	rddreg [dreg:$0x8];
	[sflag:s11] =	ssyncadd.s32 @!p2 $0xFFFFB000  }
0x3f: {  	[tilespmem:s10], [sflag:$0x9] =	stream.linear.gather @!p2 [spmem:s13], $0x4E00, $0x38;
	[tilespmem:$0x1BC60] =	vst v63  }
0x40: {  	s7 =	sadd.s32 $0x1, s7;
	_ =	swait.ge @!p2 [sflag:s11], $0x4E00  }
0x41: {  	p3 =	sne.s32 s7, s17;
	[sflag:s11] =	ssyncset.done @!p2 $0x0  }
.Ltmp1:
0x42: {  	s13 =	rddreg [dreg:$0x9];
	[sflag:s11] =	ssyncadd.s32 @!p2 $0xFFFFB200;
	(pc) =	sbr.rel @!p3 .LBB2_5-.Ltmp1, $4  }
0x43: {  	[hbm4b:s13+s12] =	stream.linear.scatter @!p2 [tilespmem:s10], [sflag:$0x9], $0x4E00, $0x38;
	[tilespmem:$0x1BC60] =	vst v63  }
0x44: {  	_ =	swait.ge @!p2 [sflag:s11], $0x4E00  }
0x45: {  	[sflag:s11] =	ssyncset.done @!p2 $0x0  }
0x46: {  	[sflag:s11] =	ssyncadd.s32 @!p2 $0xFFFFB200  }
.LBB2_1:
0x47: {  	s12 =	rddreg [dreg:$0x1];
	s10 =	simm.s32 $0xD000  }
0x48: {  	[tilespmem:s10], [sflag:$0x9] =	stream.linear.gather [hbm4b:s12+s4], $0x5000, $0x38;
	[tilespmem:$0x1BC60] =	vst v63  }
0x49: {  	_ =	swait.ge [sflag:s19], $0x5000  }
0x4a: {  	[sflag:s19] =	ssyncset.done $0x0  }
0x4b: {  	s11 =	simm.s32 @p0 $0x9;
	s10 =	simm.s32 @p0 $0xD000;
	[sflag:s19] =	ssyncadd.s32 $0xFFFFB000  }
0x4c: {  	[spmem:s6] =	stream.linear.scatter @p0 [tilespmem:s10], [sflag:$0x9], $0x5000, $0x38;
	[tilespmem:$0x1BC60] =	vst v63  }
0x4d: {  	_ =	swait.ge @p0 [sflag:s11], $0x5000  }
0x4e: {  	[sflag:s11] =	ssyncset.done @p0 $0x0  }
0x4f: {  	s13 =	rddreg [dreg:$0x4];
	[sflag:s11] =	ssyncadd.s32 @p0 $0xFFFFB000  }
0x50: {  	[spmem:s13] =	stream.linear.scatter @p0 [tilespmem:s10], [sflag:$0x9], $0x4E00, $0x38;
	[tilespmem:$0x1BC60] =	vst v63  }
0x51: {  	_ =	swait.ge @p0 [sflag:s11], $0x4E00  }
0x52: {  	[sflag:s11] =	ssyncset.done @p0 $0x0  }
0x53: {  	s10 =	simm.s32 @!p1 $0x1C09;
	[sflag:s11] =	ssyncadd.s32 @p0 $0xFFFFB200  }
0x54: {  	[spmem:s20], [sflag:s10] =	dma.local @!p1 [hbm:s12], $0x40  }
0x55: {  	s10 =	simm.s32 @!p1 $0x9  }
0x56: {  	_ =	swait.ge @!p1 [sflag:s10], $0x40  }
0x57: {  	[sflag:s10] =	ssyncset.done @!p1 $0x0  }
0x58: {  	s11 =	simm.s32 @!p0 $0x9;
	[sflag:s10] =	ssyncadd.s32 @!p1 $0xFFFFFFC0;
	s10 =	simm.s32 @!p0 $0xD000  }
0x59: {  	[spmem:s8] =	stream.linear.scatter @!p0 [tilespmem:s10], [sflag:$0x9], $0x5000, $0x38;
	[tilespmem:$0x1BC60] =	vst v63  }
0x5a: {  	_ =	swait.ge @!p0 [sflag:s11], $0x5000  }
0x5b: {  	[sflag:s11] =	ssyncset.done @!p0 $0x0  }
0x5c: {  	[sflag:s11] =	ssyncadd.s32 @!p0 $0xFFFFB000  }
0x5d: {  	[spmem:s9] =	stream.linear.scatter @!p0 [tilespmem:s10], [sflag:$0x9], $0x3200, $0x38;
	[tilespmem:$0x1BC60] =	vst v63  }
0x5e: {  	_ =	swait.ge @!p0 [sflag:s11], $0x3200  }
0x5f: {  	[sflag:s11] =	ssyncset.done @!p0 $0x0  }
0x60: {  	[sflag:s11] =	ssyncadd.s32 @!p0 $0xFFFFCE00;
	s11 =	rddreg [dreg:$0x5]  }
0x61: {  	[tilespmem:s4], [sflag:$0x9] =	stream.linear.gather [hbm4b:s11+s4], $0x2800, $0x38;
	[tilespmem:$0x1BC60] =	vst v63  }
0x62: {  	_ =	swait.ge [sflag:s19], $0x2800  }
0x63: {  	[sflag:s19] =	ssyncset.done $0x0  }
0x64: {  	s12 =	rddreg [dreg:$0x6];
	[sflag:s19] =	ssyncadd.s32 $0xFFFFD800  }
0x65: {  	[tilespmem:s21], [sflag:$0x9] =	stream.linear.gather [hbm4b:s12+s4], $0x2800, $0x38;
	[tilespmem:$0x1BC60] =	vst v63  }
0x66: {  	_ =	swait.ge [sflag:s19], $0x2800  }
0x67: {  	[sflag:s19] =	ssyncset.done $0x0  }
0x68: {  	[sflag:s19] =	ssyncadd.s32 $0xFFFFD800  }
0x69: {  	[bflag:$0x0] =	sbarrier.arrive $0xFFFF  }
0x6a: {  	[tilespmem:s23], [sflag:$0x1] =	stream.indirect.gather [hbm4b:s5+s22], $0x40, s4, s22, $0xb8;
	[tilespmem:$0x1BC60] =	vst v63  }
0x6b: {  	_ = 	snop  }
0x6c: {  	[tilespmem:s24], [sflag:$0x2] =	stream.indirect.gather [hbm4b:s5+s22], $0x40, s22, s22, $0xb8;
	[tilespmem:$0x1BC60] =	vst v63  }
0x6d: {  	s13 =	simm.s32 $0x100  }
0x6e: {  	[tilespmem:s26], [sflag:$0x3] =	stream.indirect.gather [hbm4b:s5+s22], $0x40, s13, s22, $0xb8;
	[tilespmem:$0x1BC60] =	vst v63  }
0x6f: {  	_ =	swait.ge [sflag:s28], $0x2000  }
0x70: {  	[sflag:s28] =	ssyncset.done $0x0  }
0x71: {  	[sflag:s28] =	ssyncadd.s32 $0xFFFFE000  }
0x72: {  	[spmem:s3] =	stream.indirect.scatter.add.f32 [tilespmem:s23], [sflag:$0x5], $0x40, s21, s22, $0xb8;
	[tilespmem:$0x1BC60] =	vst v63  }
0x73: {  	s14 =	simm.s32 $0x180  }
0x74: {  	[tilespmem:s30], [sflag:$0x4] =	stream.indirect.gather [hbm4b:s5+s22], $0x40, s14, s22, $0xb8;
	[tilespmem:$0x1BC60] =	vst v63  }
0x75: {  	_ =	swait.ge [sflag:s31], $0x2000  }
0x76: {  	[sflag:s31] =	ssyncset.done $0x0  }
0x77: {  	s15 =	simm.s32 $0x2880;
	[sflag:s31] =	ssyncadd.s32 $0xFFFFE000  }
0x78: {  	[spmem:s3] =	stream.indirect.scatter.add.f32 [tilespmem:s24], [sflag:$0x6], $0x40, s15, s22, $0xb8;
	[tilespmem:$0x1BC60] =	vst v63  }
0x79: {  	_ =	swait.ge [sflag:s0], $0x2000  }
0x7a: {  	[sflag:s0] =	ssyncset.done $0x0  }
0x7b: {  	s11 =	simm.s32 $0x200;
	[sflag:s0] =	ssyncadd.s32 $0xFFFFE000  }
0x7c: {  	[tilespmem:s23], [sflag:$0x1] =	stream.indirect.gather [hbm4b:s5+s22], $0x40, s11, s22, $0xb8;
	[tilespmem:$0x1BC60] =	vst v63  }
0x7d: {  	_ =	swait.ge [sflag:s25], $0x2000  }
0x7e: {  	[sflag:s25] =	ssyncset.done $0x0  }
0x7f: {  	s12 =	simm.s32 $0x2900;
	[sflag:s25] =	ssyncadd.s32 $0xFFFFE000  }
0x80: {  	[spmem:s3] =	stream.indirect.scatter.add.f32 [tilespmem:s26], [sflag:$0x7], $0x40, s12, s22, $0xb8;
	[tilespmem:$0x1BC60] =	vst v63  }
0x81: {  	_ =	swait.ge [sflag:s1], $0x2000  }
0x82: {  	[sflag:s1] =	ssyncset.done $0x0  }
0x83: {  	s13 =	simm.s32 $0x280;
	[sflag:s1] =	ssyncadd.s32 $0xFFFFE000  }
0x84: {  	[tilespmem:s24], [sflag:$0x2] =	stream.indirect.gather [hbm4b:s5+s22], $0x40, s13, s22, $0xb8;
	[tilespmem:$0x1BC60] =	vst v63  }
0x85: {  	_ =	swait.ge [sflag:s29], $0x2000  }
0x86: {  	[sflag:s29] =	ssyncset.done $0x0  }
0x87: {  	s14 =	simm.s32 $0x2980;
	[sflag:s29] =	ssyncadd.s32 $0xFFFFE000  }
0x88: {  	[spmem:s3] =	stream.indirect.scatter.add.f32 [tilespmem:s30], [sflag:$0x8], $0x40, s14, s22, $0xb8;
	[tilespmem:$0x1BC60] =	vst v63  }
0x89: {  	_ =	swait.ge [sflag:s18], $0x2000  }
0x8a: {  	[sflag:s18] =	ssyncset.done $0x0  }
0x8b: {  	s10 =	simm.s32 $0x0;
	s15 =	simm.s32 $0x300;
	[sflag:s18] =	ssyncadd.s32 $0xFFFFE000  }
0x8c: {  	[tilespmem:s26], [sflag:$0x3] =	stream.indirect.gather [hbm4b:s5+s22], $0x40, s15, s22, $0xb8;
	[tilespmem:$0x1BC60] =	vst v63  }
.LBB2_2:
0x8d: {  	_ =	swait.ge [sflag:s28], $0x2000  }
0x8e: {  	s11 =	sshra.s32 s10, $0x2;
	[sflag:s28] =	ssyncset.done $0x0  }
0x8f: {  	s12 =	sadd.s32 $0x2A00, s11;
	[sflag:s28] =	ssyncadd.s32 $0xFFFFE000  }
0x90: {  	[spmem:s3] =	stream.indirect.scatter.add.f32 [tilespmem:s23], [sflag:$0x5], $0x40, s12, s22, $0xb8;
	[tilespmem:$0x1BC60] =	vst v63  }
0x91: {  	_ =	swait.ge [sflag:s2], $0x2000  }
0x92: {  	[sflag:s2] =	ssyncset.done $0x0  }
0x93: {  	s13 =	sadd.s32 $0x380, s11;
	[sflag:s2] =	ssyncadd.s32 $0xFFFFE000  }
0x94: {  	[tilespmem:s30], [sflag:$0x4] =	stream.indirect.gather [hbm4b:s5+s22], $0x40, s13, s22, $0xb8;
	[tilespmem:$0x1BC60] =	vst v63  }
0x95: {  	_ =	swait.ge [sflag:s31], $0x2000  }
0x96: {  	p3 =	seq.s32 s10, $0x9000;
	[sflag:s31] =	ssyncset.done $0x0  }
0x97: {  	s14 =	sadd.s32 $0x2A80, s11;
	s12 =	simm.s32 @p3 $0x3;
	[sflag:s31] =	ssyncadd.s32 $0xFFFFE000  }
0x98: {  	[spmem:s3] =	stream.indirect.scatter.add.f32 [tilespmem:s24], [sflag:$0x6], $0x40, s14, s22, $0xb8;
	[tilespmem:$0x1BC60] =	vst v63  }
0x99: {  	_ =	swait.ge @p3 [sflag:s12], $0x2000  }
0x9a: {  	[sflag:s12] =	ssyncset.done @p3 $0x0  }
0x9b: {  	[sflag:s12] =	ssyncadd.s32 @p3 $0xFFFFE000;
	s12 =	sshra.s32 @p3 s10, $0x2  }
0x9c: {  	s13 =	simm.s32 @p3 $0x80;
	s14 =	simm.s32 @p3 $0x9000;
	s12 =	sadd.s32 @p3 $0x2B00, s12  }
0x9d: {  	[spmem:s3] =	stream.indirect.scatter.add.f32 @p3 [tilespmem:s14], [sflag:$0x7], $0x40, s12, s13, $0xb8;
	[tilespmem:$0x1BC60] =	vst v63  }
0x9e: {  	s12 =	simm.s32 @!p3 $0x5  }
0x9f: {  	_ =	swait.ge @!p3 [sflag:s12], $0x2000  }
0xa0: {  	[sflag:s12] =	ssyncset.done @!p3 $0x0  }
0xa1: {  	[sflag:s12] =	ssyncadd.s32 @!p3 $0xFFFFE000;
	s12 =	sshra.s32 @!p3 s10, $0x2  }
0xa2: {  	s15 =	simm.s32 @!p3 $0x5000;
	s14 =	simm.s32 @!p3 $0x80;
	s13 =	sadd.s32 @!p3 $0x400, s12  }
0xa3: {  	[tilespmem:s15], [sflag:$0x1] =	stream.indirect.gather @!p3 [hbm4b:s5+s14], $0x40, s13, s14, $0xb8;
	[tilespmem:$0x1BC60] =	vst v63  }
0xa4: {  	s13 =	simm.s32 @!p3 $0x3  }
0xa5: {  	_ =	swait.ge @!p3 [sflag:s13], $0x2000  }
0xa6: {  	[sflag:s13] =	ssyncset.done @!p3 $0x0  }
0xa7: {  	s15 =	simm.s32 @!p3 $0x9000;
	[sflag:s13] =	ssyncadd.s32 @!p3 $0xFFFFE000;
	s13 =	sadd.s32 @!p3 $0x2B00, s12  }
0xa8: {  	[spmem:s3] =	stream.indirect.scatter.add.f32 @!p3 [tilespmem:s15], [sflag:$0x7], $0x40, s13, s14, $0xb8;
	[tilespmem:$0x1BC60] =	vst v63  }
0xa9: {  	s13 =	simm.s32 @!p3 $0x6  }
0xaa: {  	_ =	swait.ge @!p3 [sflag:s13], $0x2000  }
0xab: {  	[sflag:s13] =	ssyncset.done @!p3 $0x0  }
0xac: {  	s12 =	sadd.s32 @!p3 $0x480, s12;
	[sflag:s13] =	ssyncadd.s32 @!p3 $0xFFFFE000;
	s13 =	simm.s32 @!p3 $0x7000  }
0xad: {  	[tilespmem:s13], [sflag:$0x2] =	stream.indirect.gather @!p3 [hbm4b:s5+s14], $0x40, s12, s14, $0xb8;
	[tilespmem:$0x1BC60] =	vst v63  }
.Ltmp2:
0xae: {  	_ = 	snop;
	(pc) =	sbr.rel @p3 .LBB2_4-.Ltmp2, $4  }
0xaf: {  	_ =	swait.ge [sflag:s29], $0x2000  }
0xb0: {  	[sflag:s29] =	ssyncset.done $0x0  }
0xb1: {  	s15 =	sadd.s32 $0x2B80, s11;
	[sflag:s29] =	ssyncadd.s32 $0xFFFFE000  }
0xb2: {  	[spmem:s3] =	stream.indirect.scatter.add.f32 [tilespmem:s30], [sflag:$0x8], $0x40, s15, s22, $0xb8;
	[tilespmem:$0x1BC60] =	vst v63  }
.Ltmp3:
0xb3: {  	(pc) =	sbr.rel .LBB2_2-.Ltmp3, $4  }
0xb4: {  	_ =	swait.ge [sflag:s18], $0x2000  }
0xb5: {  	[sflag:s18] =	ssyncset.done $0x0  }
0xb6: {  	s11 =	sadd.s32 $0x500, s11;
	s10 =	sadd.s32 $0x800, s10;
	[sflag:s18] =	ssyncadd.s32 $0xFFFFE000  }
0xb7: {  	[tilespmem:s26], [sflag:$0x3] =	stream.indirect.gather [hbm4b:s5+s22], $0x40, s11, s22, $0xb8;
	[tilespmem:$0x1BC60] =	vst v63  }
.LBB2_5:
0xb8: {  	_ =	sfence.sel $0x180000  }
0xb9: {  	[bflag:$0x0] =	sbarrier.arrive $0xFFFF  }
0xba: {  	_ =	strace $0x9000004A  }
0xbb: {  	s0 =	stileid.u32;
	[bflag:$0x2] =	sbarrier.arrive $0xFFFF  }
0xbc: {  	p0 =	sne.s32 s0, $0x0;
	s0 =	rddreg [dreg:$0x3]  }
0xbd: {  	s0 =	sadd.s32 @!p0 $0x100000, s0  }
0xbe: {  	[sflag:s0] =	ssyncadd.tile.s32 @!p0 $0x1;
	_ =	shalt  }
.Lfunc_end2:
_tile_overlayer_lowered:
.L_overlay_start_2:
0xbf: {  	(tag) =	ssettag $0x2  }
0xc0: {  	s0 =	rddreg [dreg:$0x0];
	s2 =	stileid.u32  }
0xc1: {  	s1 =	rddreg [dreg:$0x1];
	p0 =	sne.s32 s2, $0x0  }
0xc2: {  	s3 =	rddreg [dreg:$0x2];
	[bflag:$0x3] =	sbarrier.arrive $0xFFFF;
	s2 =	simm.s32 @!p0 $0x1C09  }
0xc3: {  	[timem:s3], [sflag:s2] =	dma.local @!p0 [hbm:s0], s1  }
0xc4: {  	s0 =	simm.s32 @!p0 $0x9  }
0xc5: {  	_ =	swait.ge @!p0 [sflag:s0], s1  }
0xc6: {  	s1 =	ssub.s32 @!p0 $0x0, s1;
	[sflag:s0] =	ssyncset.done @!p0 $0x0  }
0xc7: {  	[sflag:s0] =	ssyncadd.s32 @!p0 s1  }
0xc8: {  	[bflag:$0x3] =	sbarrier.arrive $0xFFFF  }
0xc9: {  	_ =	shalt  }

// kernel: kernel.7.cloned.1.call-start
scs
__scs_entry_jumppad:
0x0: {  	(pc) =	sbr.rel $0x88, $3  }
0x1: {  	(tag) =	ssettag $0x0;
	lr =	simm.s32 $0x1  }
0x2: {  	[smem:$0x3F9B] =	sst lr;
	_ =	strace $0xD0000000  }
0x3: {  	_ = 	snop  }
0x4: {  	_ = 	snop  }
0x5: {  	_ = 	snop  }
0x6: {  	_ = 	snop  }
0x7: {  	_ = 	snop  }
__scs_overlays_trampoline_lowered:
0x8: {  	[smem:$0x3FAA] =	sst s0  }
0x9: {  	[smem:$0x3FAB] =	sst s1  }
0xa: {  	[smem:$0x3FAC] =	sst s2  }
0xb: {  	[smem:$0x3FAD] =	sst s3  }
0xc: {  	[smem:$0x3FAE] =	sst s4  }
0xd: {  	[smem:$0x3FAF] =	sst s5  }
0xe: {  	[smem:$0x3FB0] =	sst s6  }
0xf: {  	[smem:$0x3FB1] =	sst s7  }
0x10: {  	[smem:$0x3FB2] =	sst s8  }
0x11: {  	[smem:$0x3FB3] =	sst s9;
	s0 =	simm.s32 @!p0 $0x0  }
0x12: {  	s1 =	sld [smem:$0x3F99];
	s0 =	simm.s32 @p0 $0x1  }
0x13: {  	[smem:$0x3FB4] =	sst s0;
	s0 =	simm.s32 @!p1 $0x0  }
0x14: {  	s2 =	sld [smem:$0x3F98];
	s0 =	simm.s32 @p1 $0x1  }
0x15: {  	[smem:$0x3FB5] =	sst s0;
	s0 =	simm.s32 @!p2 $0x0  }
0x16: {  	s3 =	sld [smem:$0x3FDB];
	s0 =	simm.s32 @p2 $0x1  }
0x17: {  	s4 =	simm.s32 $0x1BF5;
	[smem:$0x3FB7] =	sst s0  }
0x18: {  	s0 =	sld [smem:$0x3F9A];
	_ =	swait.ge [sflag:s4], $0x0  }
0x19: {  	s7 =	sld [smem:$0x3F9B]  }
0x1a: {  	s8 =	sadd.s32 $0xFFFFE003, lr  }
0x1b: {  	s9 =	sadd.s32 $0xFFFFFEF7, lr;
	s5 =	simm.s32 $0xFFFFFFFF;
	p2 =	slt.u32 s8, $0xFFFFF086  }
0x1c: {  	p1 =	slt.u32 s9, $0xF7A;
	s5 =	simm.s32 @!p2 $0x0  }
0x1d: {  	s5 =	simm.s32 @p1 $0x1;
	p0 =	seq.s32 s7, s2  }
0x1e: {  	s7 =	smul.u32 @!p0 $0xF7A, s2;
	p2 =	seq.s32 @!p0 s5, $0x0  }
0x1f: {  	s9 =	smul.u32 $0xF7A, s1;
	s8 =	simm.s32 @!p0 $0x1BF5;
	p2 =	por !p2, p0  }
0x20: {  	[sflag:s8] =	ssyncset.s32 @!p0 $0xFFFFF086;
	s6 =	sadd.s32 @!p0 s3, s7;
	s7 =	simm.s32 @!p0 $0x108  }
0x21: {  	s3 =	sadd.s32 s3, s9;
	s6 =	sadd.s32 @!p0 $0x88, s6;
	s7 =	simm.s32 @p2 $0x1082  }
0x22: {  	[simem:s7], [sflag:s8] =	dma.local @!p0 [hbm:s6], $0xF7A  }
0x23: {  	s9 =	sor.u32 $0xD0000000, s2;
	s6 =	simm.s32 $0x108;
	_ =	swait.ge @!p0 [sflag:s8], $0x0  }
0x24: {  	s3 =	sadd.s32 $0x88, s3;
	s6 =	simm.s32 @!p1 $0x1082;
	[sflag:s4] =	ssyncset.s32 $0xFFFFF086  }
0x25: {  	[simem:s6], [sflag:s4] =	dma.local [hbm:s3], $0xF7A  }
0x26: {  	[smem:$0x3F9B] =	sst s1;
	(tag) =	ssettag s2;
	_ =	strace s9  }
0x27: {  	s1 =	sld [smem:$0x3FAB]  }
0x28: {  	s2 =	sld [smem:$0x3FAC]  }
0x29: {  	s4 =	sld [smem:$0x3FAE]  }
0x2a: {  	p0 =	seq.s32 s5, $0x0;
	s5 =	sld [smem:$0x3FAF]  }
0x2b: {  	s6 =	sld [smem:$0x3FB0]  }
0x2c: {  	s7 =	sld [smem:$0x3FB1]  }
0x2d: {  	s3 =	simm.s32 $0x108;
	s8 =	sld [smem:$0x3FB2]  }
0x2e: {  	s3 =	simm.s32 @!p0 $0x1082;
	s9 =	sld [smem:$0x3FB3]  }
0x2f: {  	lr =	sadd.s32 s0, s3;
	s0 =	sld [smem:$0x3FAA]  }
0x30: {  	s3 =	sld [smem:$0x3FAD]  }
0x31: {  	[smem:$0x3FB6] =	sst s10  }
0x32: {  	s10 =	sld [smem:$0x3FB4];
	_ =	sdelay $0x3  }
0x33: {  	p0 =	seq.s32 s10, $0x1;
	s10 =	sld [smem:$0x3FB6];
	_ =	sdelay $0x3  }
0x34: {  	[smem:$0x3FB6] =	sst s10  }
0x35: {  	s10 =	sld [smem:$0x3FB5];
	_ =	sdelay $0x3  }
0x36: {  	p1 =	seq.s32 s10, $0x1;
	s10 =	sld [smem:$0x3FB6];
	_ =	sdelay $0x3  }
0x37: {  	[smem:$0x3FB6] =	sst s10  }
0x38: {  	s10 =	sld [smem:$0x3FB7]  }
0x39: {  	_ = 	snop;
	(pc) =	sbr.ind lr, $3  }
0x3a: {  	_ = 	snop  }
0x3b: {  	_ = 	snop  }
0x3c: {  	p2 =	seq.s32 s10, $0x1;
	s10 =	sld [smem:$0x3FB6]  }
0x3d: {  	_ =	shalt  }
0x3e: {  	_ =	shalt  }
0x3f: {  	_ =	shalt  }
0x40: {  	_ =	shalt  }
0x41: {  	_ =	shalt  }
0x42: {  	_ =	shalt  }
0x43: {  	_ =	shalt  }
0x44: {  	_ =	shalt  }
0x45: {  	_ =	shalt  }
0x46: {  	_ =	shalt  }
0x47: {  	_ =	shalt  }
0x48: {  	_ =	shalt  }
0x49: {  	_ =	shalt  }
0x4a: {  	_ =	shalt  }
0x4b: {  	_ =	shalt  }
0x4c: {  	_ =	shalt  }
0x4d: {  	_ =	shalt  }
0x4e: {  	_ =	shalt  }
0x4f: {  	_ =	shalt  }
0x50: {  	_ =	shalt  }
0x51: {  	_ =	shalt  }
0x52: {  	_ =	shalt  }
0x53: {  	_ =	shalt  }
0x54: {  	_ =	shalt  }
0x55: {  	_ =	shalt  }
0x56: {  	_ =	shalt  }
0x57: {  	_ =	shalt  }
0x58: {  	_ =	shalt  }
0x59: {  	_ =	shalt  }
0x5a: {  	_ =	shalt  }
0x5b: {  	_ =	shalt  }
0x5c: {  	_ =	shalt  }
0x5d: {  	_ =	shalt  }
0x5e: {  	_ =	shalt  }
0x5f: {  	_ =	shalt  }
0x60: {  	_ =	shalt  }
0x61: {  	_ =	shalt  }
0x62: {  	_ =	shalt  }
0x63: {  	_ =	shalt  }
0x64: {  	_ =	shalt  }
0x65: {  	_ =	shalt  }
0x66: {  	_ =	shalt  }
0x67: {  	_ =	shalt  }
0x68: {  	_ =	shalt  }
0x69: {  	_ =	shalt  }
0x6a: {  	_ =	shalt  }
0x6b: {  	_ =	shalt  }
0x6c: {  	_ =	shalt  }
0x6d: {  	_ =	shalt  }
0x6e: {  	_ =	shalt  }
0x6f: {  	_ =	shalt  }
0x70: {  	_ =	shalt  }
0x71: {  	_ =	shalt  }
0x72: {  	_ =	shalt  }
0x73: {  	_ =	shalt  }
0x74: {  	_ =	shalt  }
0x75: {  	_ =	shalt  }
0x76: {  	_ =	shalt  }
0x77: {  	_ =	shalt  }
0x78: {  	_ =	shalt  }
0x79: {  	_ =	shalt  }
0x7a: {  	_ =	shalt  }
0x7b: {  	_ =	shalt  }
0x7c: {  	_ =	shalt  }
0x7d: {  	_ =	shalt  }
0x7e: {  	_ =	shalt  }
0x7f: {  	_ =	shalt  }
0x80: {  	_ =	shalt  }
0x81: {  	_ =	shalt  }
0x82: {  	_ =	shalt  }
0x83: {  	_ =	shalt  }
0x84: {  	_ =	shalt  }
0x85: {  	_ =	shalt  }
0x86: {  	_ =	shalt  }
0x87: {  	_ =	shalt  }
.Lfunc_end0:
.L_simem_size_0:
called_computation_lowered:
.L_overlay_start_0:
0x88: {  	s2 =	sld [smem:$0x3FD9]  }
0x89: {  	s3 =	sld [smem:$0x3FFE];
	_ =	sdelay $0x1  }
0x8a: {  	s1 =	srdreg.scid  }
0x8b: {  	s0 =	sand.u32 $0x1, s1  }
0x8c: {  	s14 =	sshll.u32 s0, $0xA;
	s2 =	sadd.s32 s3, s2  }
0x8d: {  	s2 =	sadd.s32 s2, s14  }
0x8e: {  	[smem:$0x3FC2] =	sst s2  }
0x8f: {  	_ = 	snop  }
0x90: {  	s2 =	sld [smem:$0x3FD0];
	_ =	sdelay $0x2  }
0x91: {  	s15 =	simm.s32 $0xA;
	s4 =	simm.s32 $0x10  }
0x92: {  	[smem:s4], [sflag:s15] =	dma.local [hbm:s2], $0x1  }
0x93: {  	_ =	swait.eq [sflag:s15], $0x1  }
0x94: {  	[sflag:s15] =	ssyncset.done $0x0  }
0x95: {  	s16 =	sld [smem:$0x10];
	[sflag:s15] =	ssyncadd.s32 $0xFFFFFFFF  }
0x96: {  	s17 =	sld [smem:$0x11];
	(tm) =	ssettm $0x1  }
0x97: {  	s18 =	sld [smem:$0x3FFB];
	_ =	sdelay $0x3  }
0x98: {  	_ =	strace s18  }
0x99: {  	s4 =	sld [smem:$0x3FFC];
	_ =	sdelay $0x3  }
0x9a: {  	_ =	strace s4  }
0x9b: {  	s4 =	sld [smem:$0x3FFD];
	_ =	sdelay $0x3  }
0x9c: {  	_ =	strace s4  }
0x9d: {  	_ =	strace $0x8FFFFFFF  }
0x9e: {  	s19 =	sld [smem:$0x3FDB];
	_ =	sdelay $0x1  }
0x9f: {  	s5 =	simm.s32 $_scs_section_size  }
0xa0: {  	s6 =	simm.s32 $_size__tile_overlayer_lowered;
	s7 =	simm.s32 $_tile_overlayer_lowered  }
0xa1: {  	s22 =	simm.s32 $0x1BFF;
	s21 =	sshll.u32 s7, $0x1;
	s4 =	sadd.s32 s5, s19  }
0xa2: {  	s8 =	simm.s32 $0x0;
	s20 =	sshll.u32 s6, $0x1;
	s6 =	sadd.s32 s21, s4  }
0xa3: {  	[timem:s8], [sflag:s22] =	dma.local [hbm:s6], s20  }
0xa4: {  	_ =	swait.ge [sflag:s22], s20  }
0xa5: {  	s5 =	ssub.s32 $0x0, s20;
	[sflag:s22] =	ssyncset.done $0x0  }
0xa6: {  	[sflag:s22] =	ssyncadd.s32 s5;
	_ =	sdelay $0x1  }
0xa7: {  	s23 =	simm.s32 $0x1B8B  }
0xa8: {  	_ =	swait.ge [sflag:s23], $0x1  }
0xa9: {  	[sflag:s23] =	ssyncset.done $0x0  }
0xaa: {  	s25 =	simm.s32 $0x1B8E;
	s24 =	sld [smem:$0x3FFE];
	[sflag:s23] =	ssyncadd.s32 $0xFFFFFFFF  }
0xab: {  	s26 =	simm.s32 $execute0_lowered;
	[smem:$0x3FD2] =	sst s25  }
0xac: {  	s6 =	sshll.u32 s26, $0x1;
	_ =	strace $0x80000046;
	[dreg:$0x1] =	wrdreg $0xFFFFFFFF  }
0xad: {  	s28 =	simm.s32 $_size_execute0_lowered;
	s4 =	sadd.s32 s4, s6;
	[dreg:$0x0] =	wrdreg $0x0  }
0xae: {  	s6 =	sshll.u32 s28, $0x1;
	[dreg:$0x2] =	wrdreg s4  }
0xaf: {  	[dreg:$0x3] =	wrdreg s6  }
0xb0: {  	[dreg:$0x4] =	wrdreg $0xC0  }
0xb1: {  	_ =	task [dreg:s8], $0x5FFFF  }
0xb2: {  	[dreg:$0x1] =	wrdreg $0xFFFFFFFF  }
0xb3: {  	[dreg:$0x0] =	wrdreg $0x60  }
0xb4: {  	[dreg:$0x2] =	wrdreg s24  }
0xb5: {  	[dreg:$0x3] =	wrdreg s16  }
0xb6: {  	[dreg:$0x4] =	wrdreg s17  }
0xb7: {  	[dreg:$0x5] =	wrdreg $0x2AF80  }
0xb8: {  	[dreg:$0x6] =	wrdreg $0x9  }
0xb9: {  	_ =	task.clear_ibuf [dreg:s8], $0x7FFFF;
	_ =	strace $0x90000046  }
0xba: {  	s29 =	simm.s32 $0x9;
	_ =	strace $0x80000048  }
0xbb: {  	_ =	swait.ge [sflag:s29], $0x1  }
0xbc: {  	[sflag:s29] =	ssyncadd.s32 $0xFFFFFFFF  }
0xbd: {  	_ =	strace $0x90000048  }
0xbe: {  	_ =	sfence  }
0xbf: {  	s30 =	sld [smem:$0x0];
	_ =	sdelay $0x2  }
0xc0: {  	s31 =	sshll.u32 s1, $0xD;
	s1 =	sshrl.u32 s1, $0x2  }
0xc1: {  	s3 =	sand.u32 $0x4000, s31;
	s1 =	sadd.s32 s1, s30  }
0xc2: {  	s0 =	sor.u32 s3, s0;
	s1 =	sshll.u32 s1, $0x11  }
0xc3: {  	s0 =	sor.u32 s1, s0  }
0xc4: {  	s0 =	sadd.s32 $0x8F2B, s0  }
0xc5: {  	[sflag:s0] =	ssyncadd.remote.s32 $0x1  }
0xc6: {  	_ =	sfence.sel $0xFFFF  }
0xc7: {  	[dreg:$0x0] =	wrdreg $0xFFFFFFFF;
	(pc) =	sbr.abs _section_cstart, $3  }
0xc8: {  	[dreg:$0x1] =	wrdreg $0xFFFFFFFF  }
0xc9: {  	_ =	task.clear_ibuf [dreg:s8], $0x2FFFF;
	_ =	strace $0x9FFFFFFF  }
0xca: {  	(tm) =	ssettm $0x7FFFFFFF  }
0xcb: {  	_ =	shalt  }
tec
execute0_lowered:
.L_overlay_start_1:
0x0: {  	(tag) =	ssettag $0x1  }
0x1: {  	s5 =	rddreg [dreg:$0x0]  }
0x2: {  	s1 =	rddreg [dreg:$0x1]  }
0x3: {  	s10 =	rddreg [dreg:$0x2];
	s2 =	srdreg.scid  }
0x4: {  	s0 =	stileid.u32;
	s3 =	rddreg [dreg:$0x3]  }
0x5: {  	s4 =	simm.s32 $0x0;
	s15 =	simm.s32 $0x80;
	s16 =	simm.s32 $0x2800  }
0x6: {  	s17 =	simm.s32 $0x1;
	s18 =	simm.s32 $0x0;
	s6 =	sand.u32 $0x1, s2  }
0x7: {  	s7 =	sshll.u32 s0, $0x1;
	s2 =	rddreg [dreg:$0x4];
	s8 =	smul.u32 $0x9E0, s0  }
0x8: {  	[smem:$0x7FF] =	sst s4;
	s9 =	smul.u32 $0x278, s0;
	s14 =	sadd.s32 $0x2710, s3  }
0x9: {  	p0 =	sne.s32 s0, $0xF;
	p2 =	seq.s32 s0, $0xF;
	s7 =	sor.u32 s6, s7  }
0xa: {  	_ =	strace $0x80000047;
	s30 =	ssub.s32 $0x2, s6;
	s12 =	smul.u32 $0x2710, s6  }
0xb: {  	s6 =	sadd.s32 $0x2508, s3;
	p1 =	sne.s32 @p0 s0, $0x0;
	s7 =	smul.u32 $0x500, s7  }
0xc: {  	s11 =	sshrl.u32 s30, $0x1;
	s8 =	sshrl.u32 s8, $0x2;
	p1 =	por p1, !p0  }
0xd: {  	s11 =	ssub.s32 s30, s11;
	s13 =	sadd.s32 s9, s12;
	s12 =	sadd.s32 $0x2508, s12  }
0xe: {  	s14 =	sshrl.u32 @!p1 s14, $0x3;
	s7 =	sadd.s32 s7, s5;
	s5 =	sadd.s32 s8, s3  }
0xf: {  	s8 =	sadd.s32 s9, s3;
	s31 =	sshrl.u32 s13, $0x3;
	s12 =	sshrl.u32 s12, $0x3  }
0x10: {  	s11 =	smax.u32 s11, $0x1;
	s13 =	simm.s32 $0x2;
	s7 =	sadd.s32 $0x1A00, s7  }
0x11: {  	v0 =	vimm.f32 $1.000000000e+00;
	s9 =	sadd.s32 s10, s31;
	s10 =	sadd.s32 s10, s12;
	s12 =	simm.s32 $0x2880  }
.LBB2_1:
0x12: {  	[tilespmem:s12], [sflag:$0x2] =	stream.linear.gather [hbm4b:s1+s4], $0x278, $0x38;
	[tilespmem:$0x2D70] =	vst v63  }
0x13: {  	_ =	swait.ge [sflag:s13], $0x278  }
0x14: {  	[sflag:s13] =	ssyncset.done $0x0  }
0x15: {  	s19 =	simm.s32 @p0 $0x2880;
	[sflag:s13] =	ssyncadd.s32 $0xFFFFFD88  }
0x16: {  	[spmem:s5] =	stream.linear.scatter @p0 [tilespmem:s19], [sflag:$0x2], $0x278, $0x38;
	[tilespmem:$0x2D70] =	vst v63  }
0x17: {  	s19 =	simm.s32 @p0 $0x2  }
0x18: {  	_ =	swait.ge @p0 [sflag:s19], $0x278  }
0x19: {  	[sflag:s19] =	ssyncset.done @p0 $0x0  }
0x1a: {  	[sflag:s19] =	ssyncadd.s32 @p0 $0xFFFFFD88;
	s19 =	simm.s32 @!p1 $0x1C02  }
0x1b: {  	[spmem:s14], [sflag:s19] =	dma.local @!p1 [hbm:s1], $0x1  }
0x1c: {  	s19 =	simm.s32 @!p1 $0x2  }
0x1d: {  	_ =	swait.ge @!p1 [sflag:s19], $0x1  }
0x1e: {  	[sflag:s19] =	ssyncset.done @!p1 $0x0  }
0x1f: {  	[sflag:s19] =	ssyncadd.s32 @!p1 $0xFFFFFFFF;
	s19 =	simm.s32 @!p0 $0x2880  }
0x20: {  	[spmem:s6] =	stream.linear.scatter @!p0 [tilespmem:s19], [sflag:$0x2], $0x208, $0x38;
	[tilespmem:$0x2D70] =	vst v63  }
0x21: {  	s19 =	simm.s32 @!p0 $0x2  }
0x22: {  	_ =	swait.ge @!p0 [sflag:s19], $0x208  }
0x23: {  	[sflag:s19] =	ssyncset.done @!p0 $0x0  }
0x24: {  	[sflag:s19] =	ssyncadd.s32 @!p0 $0xFFFFFDF8  }
0x25: {  	[tilespmem:s4], [sflag:$0x2] =	stream.linear.gather [hbm4b:s7+s4], $0x2800, $0x38;
	[tilespmem:$0x2D70] =	vst v63  }
0x26: {  	_ =	swait.ge [sflag:s13], $0x2800  }
0x27: {  	[sflag:s13] =	ssyncset.done $0x0  }
0x28: {  	[sflag:s13] =	ssyncadd.s32 $0xFFFFD800  }
0x29: {  	[tilespmem:$0x2800] =	vst v0  }
0x2a: {  	[tilespmem:$0x2810] =	vst v0  }
0x2b: {  	[tilespmem:$0x2820] =	vst v0  }
0x2c: {  	[tilespmem:$0x2830] =	vst v0  }
0x2d: {  	[tilespmem:$0x2840] =	vst v0  }
0x2e: {  	[tilespmem:$0x2850] =	vst v0  }
0x2f: {  	[tilespmem:$0x2860] =	vst v0  }
0x30: {  	[tilespmem:$0x2870] =	vst v0  }
0x31: {  	s23 =	simm.s32 $0x0;
	[bflag:$0x0] =	sbarrier.arrive $0xFFFF  }
0x32: {  	[spmem:s3] =	stream.indirect.scatter.add.f32 [tilespmem:s16], [sflag:$0x1], $0x1, s23, s15, $0xb8;
	[tilespmem:$0x2D70] =	vst v63  }
0x33: {  	s24 =	simm.s32 $0x80  }
0x34: {  	[spmem:s3] =	stream.indirect.scatter.add.f32 [tilespmem:s16], [sflag:$0x1], $0x1, s24, s15, $0xb8;
	[tilespmem:$0x2D70] =	vst v63  }
0x35: {  	s25 =	simm.s32 $0x100  }
0x36: {  	[spmem:s3] =	stream.indirect.scatter.add.f32 [tilespmem:s16], [sflag:$0x1], $0x1, s25, s15, $0xb8;
	[tilespmem:$0x2D70] =	vst v63  }
0x37: {  	s26 =	simm.s32 $0x180  }
0x38: {  	[spmem:s3] =	stream.indirect.scatter.add.f32 [tilespmem:s16], [sflag:$0x1], $0x1, s26, s15, $0xb8;
	[tilespmem:$0x2D70] =	vst v63  }
0x39: {  	s28 =	simm.s32 $0x200  }
0x3a: {  	[spmem:s3] =	stream.indirect.scatter.add.f32 [tilespmem:s16], [sflag:$0x1], $0x1, s28, s15, $0xb8;
	[tilespmem:$0x2D70] =	vst v63  }
0x3b: {  	s29 =	simm.s32 $0x280  }
0x3c: {  	[spmem:s3] =	stream.indirect.scatter.add.f32 [tilespmem:s16], [sflag:$0x1], $0x1, s29, s15, $0xb8;
	[tilespmem:$0x2D70] =	vst v63  }
0x3d: {  	s30 =	simm.s32 $0x300  }
0x3e: {  	[spmem:s3] =	stream.indirect.scatter.add.f32 [tilespmem:s16], [sflag:$0x1], $0x1, s30, s15, $0xb8;
	[tilespmem:$0x2D70] =	vst v63  }
0x3f: {  	s31 =	simm.s32 $0x380  }
0x40: {  	[spmem:s3] =	stream.indirect.scatter.add.f32 [tilespmem:s16], [sflag:$0x1], $0x1, s31, s15, $0xb8;
	[tilespmem:$0x2D70] =	vst v63  }
0x41: {  	_ =	swait.ge [sflag:s17], $0x80  }
0x42: {  	[sflag:s17] =	ssyncset.done $0x0  }
0x43: {  	[sflag:s17] =	ssyncadd.s32 $0xFFFFFF80  }
0x44: {  	_ =	swait.ge [sflag:s17], $0x80  }
0x45: {  	[sflag:s17] =	ssyncset.done $0x0  }
0x46: {  	[sflag:s17] =	ssyncadd.s32 $0xFFFFFF80  }
0x47: {  	_ =	swait.ge [sflag:s17], $0x80  }
0x48: {  	[sflag:s17] =	ssyncset.done $0x0  }
0x49: {  	[sflag:s17] =	ssyncadd.s32 $0xFFFFFF80  }
0x4a: {  	_ =	swait.ge [sflag:s17], $0x80  }
0x4b: {  	[sflag:s17] =	ssyncset.done $0x0  }
0x4c: {  	[sflag:s17] =	ssyncadd.s32 $0xFFFFFF80  }
0x4d: {  	_ =	swait.ge [sflag:s17], $0x80  }
0x4e: {  	[sflag:s17] =	ssyncset.done $0x0  }
0x4f: {  	[sflag:s17] =	ssyncadd.s32 $0xFFFFFF80  }
0x50: {  	_ =	swait.ge [sflag:s17], $0x80  }
0x51: {  	[sflag:s17] =	ssyncset.done $0x0  }
0x52: {  	[sflag:s17] =	ssyncadd.s32 $0xFFFFFF80  }
0x53: {  	_ =	swait.ge [sflag:s17], $0x80  }
0x54: {  	[sflag:s17] =	ssyncset.done $0x0  }
0x55: {  	[sflag:s17] =	ssyncadd.s32 $0xFFFFFF80  }
0x56: {  	_ =	swait.ge [sflag:s17], $0x80  }
0x57: {  	s21 =	simm.s32 $0x2000;
	s19 =	simm.s32 $0x1000;
	[sflag:s17] =	ssyncset.done $0x0  }
.LBB2_2:
0x58: {  	s22 =	sshra.s32 s19, $0x2  }
0x59: {  	[sflag:s17] =	ssyncadd.s32 $0xFFFFFF80;
	s19 =	smov.u32 s21;
	s20 =	sadd.s32 $0x1000, s21  }
0x5a: {  	[spmem:s3] =	stream.indirect.scatter.add.f32 [tilespmem:s16], [sflag:$0x1], $0x1, s22, s15, $0xb8;
	[tilespmem:$0x2D70] =	vst v63  }
0x5b: {  	p3 =	sne.s32 s21, $0x9000;
	s21 =	sadd.s32 $0x80, s22  }
0x5c: {  	[spmem:s3] =	stream.indirect.scatter.add.f32 [tilespmem:s16], [sflag:$0x1], $0x1, s21, s15, $0xb8;
	[tilespmem:$0x2D70] =	vst v63  }
0x5d: {  	s21 =	sadd.s32 $0x100, s22  }
0x5e: {  	[spmem:s3] =	stream.indirect.scatter.add.f32 [tilespmem:s16], [sflag:$0x1], $0x1, s21, s15, $0xb8;
	[tilespmem:$0x2D70] =	vst v63  }
0x5f: {  	s21 =	sadd.s32 $0x180, s22  }
0x60: {  	[spmem:s3] =	stream.indirect.scatter.add.f32 [tilespmem:s16], [sflag:$0x1], $0x1, s21, s15, $0xb8;
	[tilespmem:$0x2D70] =	vst v63  }
0x61: {  	s21 =	sadd.s32 $0x200, s22  }
0x62: {  	[spmem:s3] =	stream.indirect.scatter.add.f32 [tilespmem:s16], [sflag:$0x1], $0x1, s21, s15, $0xb8;
	[tilespmem:$0x2D70] =	vst v63  }
0x63: {  	s21 =	sadd.s32 $0x280, s22  }
0x64: {  	[spmem:s3] =	stream.indirect.scatter.add.f32 [tilespmem:s16], [sflag:$0x1], $0x1, s21, s15, $0xb8;
	[tilespmem:$0x2D70] =	vst v63  }
0x65: {  	s21 =	sadd.s32 $0x300, s22  }
0x66: {  	[spmem:s3] =	stream.indirect.scatter.add.f32 [tilespmem:s16], [sflag:$0x1], $0x1, s21, s15, $0xb8;
	[tilespmem:$0x2D70] =	vst v63  }
0x67: {  	s21 =	sadd.s32 $0x380, s22  }
0x68: {  	[spmem:s3] =	stream.indirect.scatter.add.f32 [tilespmem:s16], [sflag:$0x1], $0x1, s21, s15, $0xb8;
	[tilespmem:$0x2D70] =	vst v63  }
0x69: {  	_ =	swait.ge [sflag:s17], $0x80  }
0x6a: {  	[sflag:s17] =	ssyncset.done $0x0  }
0x6b: {  	[sflag:s17] =	ssyncadd.s32 $0xFFFFFF80  }
0x6c: {  	_ =	swait.ge [sflag:s17], $0x80  }
0x6d: {  	[sflag:s17] =	ssyncset.done $0x0  }
0x6e: {  	[sflag:s17] =	ssyncadd.s32 $0xFFFFFF80  }
0x6f: {  	_ =	swait.ge [sflag:s17], $0x80  }
0x70: {  	[sflag:s17] =	ssyncset.done $0x0  }
0x71: {  	[sflag:s17] =	ssyncadd.s32 $0xFFFFFF80  }
0x72: {  	_ =	swait.ge [sflag:s17], $0x80  }
0x73: {  	[sflag:s17] =	ssyncset.done $0x0  }
0x74: {  	[sflag:s17] =	ssyncadd.s32 $0xFFFFFF80  }
0x75: {  	_ =	swait.ge [sflag:s17], $0x80  }
0x76: {  	[sflag:s17] =	ssyncset.done $0x0  }
0x77: {  	[sflag:s17] =	ssyncadd.s32 $0xFFFFFF80  }
0x78: {  	_ =	swait.ge [sflag:s17], $0x80  }
0x79: {  	[sflag:s17] =	ssyncset.done $0x0  }
0x7a: {  	[sflag:s17] =	ssyncadd.s32 $0xFFFFFF80  }
.Ltmp0:
0x7b: {  	_ =	swait.ge [sflag:s17], $0x80;
	(pc) =	sbr.rel @p3 .LBB2_2-.Ltmp0, $4  }
0x7c: {  	[sflag:s17] =	ssyncset.done $0x0  }
0x7d: {  	[sflag:s17] =	ssyncadd.s32 $0xFFFFFF80  }
0x7e: {  	_ =	swait.ge [sflag:s17], $0x80  }
0x7f: {  	s21 =	smov.u32 s20;
	[sflag:s17] =	ssyncset.done $0x0  }
0x80: {  	s19 =	sshra.s32 s19, $0x2;
	[sflag:s17] =	ssyncadd.s32 $0xFFFFFF80  }
0x81: {  	[spmem:s3] =	stream.indirect.scatter.add.f32 [tilespmem:s16], [sflag:$0x1], $0x1, s19, s15, $0xb8;
	[tilespmem:$0x2D70] =	vst v63  }
0x82: {  	s20 =	sadd.s32 $0x80, s19  }
0x83: {  	[spmem:s3] =	stream.indirect.scatter.add.f32 [tilespmem:s16], [sflag:$0x1], $0x1, s20, s15, $0xb8;
	[tilespmem:$0x2D70] =	vst v63  }
0x84: {  	s26 =	sadd.s32 $0x100, s19  }
0x85: {  	[spmem:s3] =	stream.indirect.scatter.add.f32 [tilespmem:s16], [sflag:$0x1], $0x1, s26, s15, $0xb8;
	[tilespmem:$0x2D70] =	vst v63  }
0x86: {  	s28 =	sadd.s32 $0x180, s19  }
0x87: {  	[spmem:s3] =	stream.indirect.scatter.add.f32 [tilespmem:s16], [sflag:$0x1], $0x1, s28, s15, $0xb8;
	[tilespmem:$0x2D70] =	vst v63  }
0x88: {  	s29 =	sadd.s32 $0x200, s19  }
0x89: {  	[spmem:s3] =	stream.indirect.scatter.add.f32 [tilespmem:s16], [sflag:$0x1], $0x1, s29, s15, $0xb8;
	[tilespmem:$0x2D70] =	vst v63  }
0x8a: {  	s30 =	sadd.s32 $0x280, s19  }
0x8b: {  	[spmem:s3] =	stream.indirect.scatter.add.f32 [tilespmem:s16], [sflag:$0x1], $0x1, s30, s15, $0xb8;
	[tilespmem:$0x2D70] =	vst v63  }
0x8c: {  	s31 =	sadd.s32 $0x300, s19  }
0x8d: {  	[spmem:s3] =	stream.indirect.scatter.add.f32 [tilespmem:s16], [sflag:$0x1], $0x1, s31, s15, $0xb8;
	[tilespmem:$0x2D70] =	vst v63  }
0x8e: {  	s19 =	sadd.s32 $0x380, s19  }
0x8f: {  	[spmem:s3] =	stream.indirect.scatter.add.f32 [tilespmem:s16], [sflag:$0x1], $0x1, s19, s15, $0xb8;
	[tilespmem:$0x2D70] =	vst v63  }
0x90: {  	_ =	swait.ge [sflag:s17], $0x80  }
0x91: {  	[sflag:s17] =	ssyncset.done $0x0  }
0x92: {  	[sflag:s17] =	ssyncadd.s32 $0xFFFFFF80  }
0x93: {  	_ =	swait.ge [sflag:s17], $0x80  }
0x94: {  	[sflag:s17] =	ssyncset.done $0x0  }
0x95: {  	[sflag:s17] =	ssyncadd.s32 $0xFFFFFF80  }
0x96: {  	_ =	swait.ge [sflag:s17], $0x80  }
0x97: {  	[sflag:s17] =	ssyncset.done $0x0  }
0x98: {  	[sflag:s17] =	ssyncadd.s32 $0xFFFFFF80  }
0x99: {  	_ =	swait.ge [sflag:s17], $0x80  }
0x9a: {  	[sflag:s17] =	ssyncset.done $0x0  }
0x9b: {  	[sflag:s17] =	ssyncadd.s32 $0xFFFFFF80  }
0x9c: {  	_ =	swait.ge [sflag:s17], $0x80  }
0x9d: {  	[sflag:s17] =	ssyncset.done $0x0  }
0x9e: {  	[sflag:s17] =	ssyncadd.s32 $0xFFFFFF80  }
0x9f: {  	_ =	swait.ge [sflag:s17], $0x80  }
0xa0: {  	[sflag:s17] =	ssyncset.done $0x0  }
0xa1: {  	[sflag:s17] =	ssyncadd.s32 $0xFFFFFF80  }
0xa2: {  	_ =	swait.ge [sflag:s17], $0x80  }
0xa3: {  	[sflag:s17] =	ssyncset.done $0x0  }
0xa4: {  	[sflag:s17] =	ssyncadd.s32 $0xFFFFFF80  }
0xa5: {  	_ =	swait.ge [sflag:s17], $0x80  }
0xa6: {  	[sflag:s17] =	ssyncset.done $0x0  }
0xa7: {  	[sflag:s17] =	ssyncadd.s32 $0xFFFFFF80  }
0xa8: {  	s20 =	simm.s32 @p2 $0x2;
	s19 =	simm.s32 @p2 $0x2880;
	[bflag:$0x0] =	sbarrier.arrive $0xFFFF  }
0xa9: {  	[tilespmem:s19], [sflag:$0x2] =	stream.linear.gather @p2 [spmem:s6], $0x208, $0x38;
	[tilespmem:$0x2D70] =	vst v63  }
0xaa: {  	_ =	swait.ge @p2 [sflag:s20], $0x208  }
0xab: {  	[sflag:s20] =	ssyncset.done @p2 $0x0  }
0xac: {  	s21 =	simm.s32 @p2 $0x0;
	[sflag:s20] =	ssyncadd.s32 @p2 $0xFFFFFDF8  }
0xad: {  	[hbm4b:s10+s21] =	stream.linear.scatter @p2 [tilespmem:s19], [sflag:$0x2], $0x208, $0x38;
	[tilespmem:$0x2D70] =	vst v63  }
0xae: {  	_ =	swait.ge @p2 [sflag:s20], $0x208  }
0xaf: {  	[sflag:s20] =	ssyncset.done @p2 $0x0  }
0xb0: {  	s19 =	simm.s32 @!p2 $0x2880;
	[sflag:s20] =	ssyncadd.s32 @p2 $0xFFFFFDF8;
	s20 =	simm.s32 @!p2 $0x2  }
0xb1: {  	[tilespmem:s19], [sflag:$0x2] =	stream.linear.gather @!p2 [spmem:s8], $0x278, $0x38;
	[tilespmem:$0x2D70] =	vst v63  }
0xb2: {  	s18 =	sadd.s32 $0x1, s18;
	_ =	swait.ge @!p2 [sflag:s20], $0x278  }
0xb3: {  	p3 =	sne.s32 s18, s11;
	[sflag:s20] =	ssyncset.done @!p2 $0x0  }
.Ltmp1:
0xb4: {  	s21 =	simm.s32 @!p2 $0x0;
	[sflag:s20] =	ssyncadd.s32 @!p2 $0xFFFFFD88;
	(pc) =	sbr.rel @p3 .LBB2_1-.Ltmp1, $4  }
0xb5: {  	[hbm4b:s9+s21] =	stream.linear.scatter @!p2 [tilespmem:s19], [sflag:$0x2], $0x278, $0x38;
	[tilespmem:$0x2D70] =	vst v63  }
0xb6: {  	_ =	swait.ge @!p2 [sflag:s20], $0x278  }
0xb7: {  	[sflag:s20] =	ssyncset.done @!p2 $0x0  }
0xb8: {  	[sflag:s20] =	ssyncadd.s32 @!p2 $0xFFFFFD88  }
0xb9: {  	_ =	sfence.sel $0x180000  }
0xba: {  	[bflag:$0x0] =	sbarrier.arrive $0xFFFF  }
0xbb: {  	p0 =	sne.s32 s0, $0x0;
	_ =	strace $0x90000047  }
0xbc: {  	s0 =	sadd.s32 @!p0 $0x100000, s2;
	[bflag:$0x2] =	sbarrier.arrive $0xFFFF  }
0xbd: {  	[sflag:s0] =	ssyncadd.tile.s32 @!p0 $0x1;
	_ =	shalt  }
.Lfunc_end2:
_tile_overlayer_lowered:
.L_overlay_start_2:
0xbe: {  	(tag) =	ssettag $0x2  }
0xbf: {  	s0 =	rddreg [dreg:$0x0];
	s2 =	stileid.u32  }
0xc0: {  	s1 =	rddreg [dreg:$0x1];
	p0 =	sne.s32 s2, $0x0  }
0xc1: {  	s3 =	rddreg [dreg:$0x2];
	[bflag:$0x3] =	sbarrier.arrive $0xFFFF;
	s2 =	simm.s32 @!p0 $0x1C02  }
0xc2: {  	[timem:s3], [sflag:s2] =	dma.local @!p0 [hbm:s0], s1  }
0xc3: {  	s0 =	simm.s32 @!p0 $0x2  }
0xc4: {  	_ =	swait.ge @!p0 [sflag:s0], s1  }
0xc5: {  	s1 =	ssub.s32 @!p0 $0x0, s1;
	[sflag:s0] =	ssyncset.done @!p0 $0x0  }
0xc6: {  	[sflag:s0] =	ssyncadd.s32 @!p0 s1  }
0xc7: {  	[bflag:$0x3] =	sbarrier.arrive $0xFFFF  }
0xc8: {  	_ =	shalt  }

</sc_bundles>
